<compile_context>
chip_gen: v7x
topology: tpu7x:2x2x1
jax: 0.10.2.dev20260603
libtpu: 0.0.44.dev20260713+nightly
codegen_flags: <defaults>
</compile_context>

<pallas_src>
import functools

import jax
import jax.numpy as jnp
from jax import lax
from jax.experimental import pallas as pl
from jax.experimental.pallas import tpu as pltpu
from jax.experimental.pallas import tpu_sc as plsc

_NC = 2
_NS = 16
_CHUNK = 80
_NBUF = 4


def _sc_aggregate(x01, src_t, dst_t, n, dh):
    cpt = src_t.shape[1]
    tail = cpt % _NBUF
    ng = cpt // _NBUF
    rpt = -(-n // (_NS * 8)) * 8
    np_ = rpt * _NS
    zrows = 320
    lanes = dh // 16
    cl = _CHUNK // 16

    mesh = plsc.VectorSubcoreMesh(core_axis_name="c", subcore_axis_name="s")

    @functools.partial(
        pl.kernel,
        mesh=mesh,
        out_type=jax.ShapeDtypeStruct((_NC, np_, dh), jnp.float32),
        scratch_types=[
            pltpu.VMEM_SHARED((np_, dh), jnp.float32),
            pltpu.VMEM((zrows, dh), jnp.float32),
            pltpu.VMEM((cpt, _CHUNK), jnp.int32),
            pltpu.VMEM((cpt, _CHUNK), jnp.int32),
            [pltpu.VMEM((_CHUNK, dh), jnp.float32) for _ in range(_NBUF)],
            [pltpu.SemaphoreType.DMA for _ in range(_NBUF)],
            pltpu.SemaphoreType.DMA,
            pltpu.SemaphoreType.DMA,
        ],
        compiler_params=pltpu.CompilerParams(use_tc_tiling_on_sc=False),
    )
    def agg(x01_hbm, src_hbm, dst_hbm, out_hbm,
            acc, zbuf, src_v, dst_v, rows, sems, si_sem, di_sem):
        cid = lax.axis_index("c")
        sid = lax.axis_index("s")
        row0 = pl.multiple_of(sid * rpt, rpt)

        pltpu.async_copy(src_hbm.at[sid], src_v, si_sem)
        pltpu.async_copy(dst_hbm.at[sid], dst_v, di_sem)

        zv = jnp.zeros((16,), jnp.float32)

        def zero_body(i, carry):
            zbuf[i // lanes, pl.ds((i % lanes) * 16, 16)] = zv
            return carry

        lax.fori_loop(0, zrows * lanes, zero_body, 0)
        done = 0
        while done < rpt:
            step = min(zrows, rpt - done)
            pltpu.sync_copy(zbuf.at[pl.ds(0, step)],
                            acc.at[pl.ds(row0 + done, step)])
            done += step

        pltpu.make_async_copy(src_hbm.at[sid], src_v, si_sem).wait()
        pltpu.make_async_copy(dst_hbm.at[sid], dst_v, di_sem).wait()
        plsc.subcore_barrier()

        def adjust(j):
            for c in range(cl):
                v = src_v[j, pl.ds(c * 16, 16)]
                src_v[j, pl.ds(c * 16, 16)] = v + v + cid

        def g_start(j, b):
            pltpu.async_copy(x01_hbm.at[src_v.at[j]], rows[b], sems[b])

        def g_wait(j, b):
            pltpu.make_async_copy(x01_hbm.at[src_v.at[j]], rows[b],
                                  sems[b]).wait()

        def s_start(j, b):
            pltpu.async_copy(rows[b], acc.at[dst_v.at[j]], sems[b], add=True)

        def s_wait(j, b):
            pltpu.make_async_copy(rows[b], acc.at[dst_v.at[j]],
                                  sems[b]).wait()

        for j in range(_NBUF - 1):
            adjust(j)
            g_start(j, j)

        def body(g, carry):
            jb = g * _NBUF
            for b in range(_NBUF):
                j = jb + b
                g_wait(j, b)
                s_start(j, b)

                if b == 0:
                    @pl.when(g > 0)
                    def _():
                        s_wait(j - 1, _NBUF - 1)
                else:
                    s_wait(j - 1, b - 1)

                @pl.when(j + _NBUF - 1 < cpt)
                def _():
                    adjust(j + _NBUF - 1)
                    g_start(j + _NBUF - 1, (b - 1) % _NBUF)

            return carry

        lax.fori_loop(0, ng, body, 0)
        for j in range(cpt - tail, cpt):
            b = j % _NBUF
            g_wait(j, b)
            s_start(j, b)
            s_wait(j - 1, (b - 1) % _NBUF)
        s_wait(cpt - 1, (cpt - 1) % _NBUF)
        plsc.subcore_barrier()

        done = 0
        while done < rpt:
            step = min(zrows, rpt - done)
            pltpu.sync_copy(acc.at[pl.ds(row0 + done, step)],
                            zbuf.at[pl.ds(0, step)])
            pltpu.sync_copy(zbuf.at[pl.ds(0, step)],
                            out_hbm.at[cid, pl.ds(row0 + done, step)])
            done += step

    return agg(x01, src_t, dst_t)


def _tc_finish(agg, w, n):
    dh = agg.shape[2]
    dout = w.shape[1]
    br = 1000
    while n % br:
        br -= 8

    def body(p_ref, w_ref, o_ref):
        o_ref[...] = (
            jnp.dot(p_ref[0], w_ref[:dh], preferred_element_type=jnp.float32)
            + jnp.dot(p_ref[1], w_ref[dh:], preferred_element_type=jnp.float32)
        )

    return pl.pallas_call(
        body,
        grid=(n // br,),
        in_specs=[
            pl.BlockSpec((_NC, br, dh), lambda i: (0, i, 0)),
            pl.BlockSpec((2 * dh, dout), lambda i: (0, 0)),
        ],
        out_specs=pl.BlockSpec((br, dout), lambda i: (i, 0)),
        out_shape=jax.ShapeDtypeStruct((n, dout), jnp.float32),
    )(agg, w)


def kernel(x, edge_index, W):
    n, d = x.shape
    dh = d // 2
    e = edge_index.shape[1]
    cpt = e // (_NS * _CHUNK)
    dst = edge_index[0].astype(jnp.int32)
    src = edge_index[1].astype(jnp.int32)
    x01 = x.reshape(2 * n, dh)
    src_t = src.reshape(_NS, cpt, _CHUNK)
    dst_t = dst.reshape(_NS, cpt, _CHUNK)
    agg = _sc_aggregate(x01, src_t, dst_t, n, dh)
    return _tc_finish(agg, W, n)

# --- scband reference (transcript-rebuilt; emitter-appended) ---
"""Pipeline reference for scband-vanilla-gnnlayer-64905545777776 (READ-ONLY COPY).

The authoritative reference and input builder live on the scoring server;
editing this copy changes nothing except your own understanding.
"""

import jax, jax.numpy as jnp
import numpy as np

N_NODES = 10000
N_EDGES = 320000
D_IN = 128
D_OUT = 128

def setup_inputs(seed: int = 0) -> dict:
    key = jax.random.key(seed)
    k1, k2, k3 = jax.random.split(key, 3)
    x = jax.random.normal(k1, (N_NODES, D_IN), dtype=jnp.float32)
    edge_index = jax.random.randint(k2, (2, N_EDGES), 0, N_NODES, dtype=jnp.int64)
    # Dense kernel (no bias), glorot_uniform-like init
    limit = float(np.sqrt(6.0 / (D_IN + D_OUT)))
    W = jax.random.uniform(k3, (D_IN, D_OUT), minval=-limit, maxval=limit, dtype=jnp.float32)
    return {"x": x, "edge_index": edge_index, "W": W}

def reference(x, edge_index, W):
    # x = self.linear(x)  (Dense, no bias)
    y = jnp.dot(x, W)
    # x = tf.sparse.sparse_dense_matmul(adjacency, x)
    # adjacency is a binary sparse [N, N] matrix with nonzeros at
    # (row=dst, col=src) pairs given by edge_index, values=1.0.
    # out[i] = sum_{edges e: dst(e)==i} y[src(e)]
    dst = edge_index[0]
    src = edge_index[1]
    gathered = jnp.take(y, src, axis=0)
    out = jax.ops.segment_sum(gathered, dst, num_segments=N_NODES)
    return out

if __name__ == "__main__":
    import jax
    _d = setup_inputs()
    print(jax.jit(kernel)(*tuple(_d.values())))

</pallas_src>

<mosaic_0001>
#map = affine_map<(d0, d1) -> (0, 0)>
#map1 = affine_map<(d0, d1) -> (0, 0, 0)>
module attributes {stable_mosaic.version = 14 : i64} {
  func.func @agg(%arg0: i32, %arg1: i32, %arg2: memref<20000x64xf32, #tpu.memory_space<hbm>>, %arg3: memref<16x250x80xi32, #tpu.memory_space<hbm>>, %arg4: memref<16x250x80xi32, #tpu.memory_space<hbm>>, %arg5: memref<2x10112x64xf32, #tpu.memory_space<hbm>>, %arg6: memref<10112x64xf32, #tpu.memory_space<vmem_shared>>, %arg7: memref<320x64xf32, #tpu.memory_space<vmem>>, %arg8: memref<250x80xi32, #tpu.memory_space<vmem>>, %arg9: memref<250x80xi32, #tpu.memory_space<vmem>>, %arg10: memref<80x64xf32, #tpu.memory_space<vmem>>, %arg11: memref<80x64xf32, #tpu.memory_space<vmem>>, %arg12: memref<80x64xf32, #tpu.memory_space<vmem>>, %arg13: memref<80x64xf32, #tpu.memory_space<vmem>>, %arg14: memref<!tpu.dma_semaphore, #tpu.memory_space<semaphore_mem>>, %arg15: memref<!tpu.dma_semaphore, #tpu.memory_space<semaphore_mem>>, %arg16: memref<!tpu.dma_semaphore, #tpu.memory_space<semaphore_mem>>, %arg17: memref<!tpu.dma_semaphore, #tpu.memory_space<semaphore_mem>>, %arg18: memref<!tpu.dma_semaphore, #tpu.memory_space<semaphore_mem>>, %arg19: memref<!tpu.dma_semaphore, #tpu.memory_space<semaphore_mem>>) attributes {dimension_semantics = [#tpu.dimension_semantics<core_parallel>, #tpu.dimension_semantics<subcore_parallel>], iteration_bounds = array<i64: 2, 16>, scalar_prefetch = 0 : i64, scratch_operands = 14 : i64, tpu.core_type = #tpu.core_type<sc_vector_subcore>, window_params = [{transform_indices = #map}, {transform_indices = #map1}, {transform_indices = #map1}, {transform_indices = #map1}]} {
    %mul3A = arith.constant 632 : i32
    %mul3A_0 = arith.muli %arg1, %mul3A : i32
    %multiple_of3A = tpu.assume_multiple %mul3A_0, 632 : i32
    %dma_start3A = arith.constant 0 : i32
    %dma_start3A_1 = arith.constant 0 : i32
    %dma_start3A_2 = tpu.memref_slice %arg3[%arg1, %dma_start3A, %dma_start3A_1] : memref<16x250x80xi32, #tpu.memory_space<hbm>> -> memref<1x250x80xi32, #tpu.memory_space<hbm>>
    %dma_start3A_3 = tpu.memref_squeeze %dma_start3A_2 : memref<1x250x80xi32, #tpu.memory_space<hbm>> -> memref<250x80xi32, #tpu.memory_space<hbm>>
    %dma_start3A_4 = arith.constant 0 : i32
    %dma_start3A_5 = arith.constant 0 : i32
    %dma_start3A_6 = tpu.memref_slice %arg3[%arg1, %dma_start3A_4, %dma_start3A_5] : memref<16x250x80xi32, #tpu.memory_space<hbm>> -> memref<1x250x80xi32, #tpu.memory_space<hbm>>
    %dma_start3A_7 = tpu.memref_squeeze %dma_start3A_6 : memref<1x250x80xi32, #tpu.memory_space<hbm>> -> memref<250x80xi32, #tpu.memory_space<hbm>>
    tpu.enqueue_dma source(%dma_start3A_7 : memref<250x80xi32, #tpu.memory_space<hbm>>) target(%arg8 : memref<250x80xi32, #tpu.memory_space<vmem>>) target_semaphore(%arg18 : memref<!tpu.dma_semaphore, #tpu.memory_space<semaphore_mem>>)
    %dma_start3A_8 = arith.constant 0 : i32
    %dma_start3A_9 = arith.constant 0 : i32
    %dma_start3A_10 = tpu.memref_slice %arg4[%arg1, %dma_start3A_8, %dma_start3A_9] : memref<16x250x80xi32, #tpu.memory_space<hbm>> -> memref<1x250x80xi32, #tpu.memory_space<hbm>>
    %dma_start3A_11 = tpu.memref_squeeze %dma_start3A_10 : memref<1x250x80xi32, #tpu.memory_space<hbm>> -> memref<250x80xi32, #tpu.memory_space<hbm>>
    %dma_start3A_12 = arith.constant 0 : i32
    %dma_start3A_13 = arith.constant 0 : i32
    %dma_start3A_14 = tpu.memref_slice %arg4[%arg1, %dma_start3A_12, %dma_start3A_13] : memref<16x250x80xi32, #tpu.memory_space<hbm>> -> memref<1x250x80xi32, #tpu.memory_space<hbm>>
    %dma_start3A_15 = tpu.memref_squeeze %dma_start3A_14 : memref<1x250x80xi32, #tpu.memory_space<hbm>> -> memref<250x80xi32, #tpu.memory_space<hbm>>
    tpu.enqueue_dma source(%dma_start3A_15 : memref<250x80xi32, #tpu.memory_space<hbm>>) target(%arg9 : memref<250x80xi32, #tpu.memory_space<vmem>>) target_semaphore(%arg19 : memref<!tpu.dma_semaphore, #tpu.memory_space<semaphore_mem>>)
    %broadcast_in_dim3A = arith.constant 0.000000e+00 : f32
    %broadcast_in_dim3A_16 = vector.broadcast %broadcast_in_dim3A : f32 to vector<16xf32>
    %scan3A = arith.constant 0 : i32
    %scan3A_17 = arith.constant 0 : i32
    %scan3A_18 = arith.constant 1280 : i32
    %scan3A_19 = arith.addi %scan3A_17, %scan3A_18 : i32
    %scan3A_20 = arith.constant 1 : i32
    scf.for %scan3A_333 = %scan3A_17 to %scan3A_19 step %scan3A_20  : i32 {
      %jit3A = arith.constant 4 : i32
      %div3A = arith.divsi %scan3A_333, %jit3A : i32
      %sign3A = arith.constant 0 : i32
      %sign3A_334 = arith.cmpi sgt, %scan3A_333, %sign3A : i32
      %sign3A_335 = arith.extui %sign3A_334 : i1 to i32
      %sign3A_336 = arith.constant 0 : i32
      %sign3A_337 = arith.cmpi slt, %scan3A_333, %sign3A_336 : i32
      %sign3A_338 = arith.extui %sign3A_337 : i1 to i32
      %sign3A_339 = arith.subi %sign3A_335, %sign3A_338 : i32
      %sign3A_340 = arith.constant 0 : i32
      %sign3A_341 = arith.cmpi sgt, %jit3A, %sign3A_340 : i32
      %sign3A_342 = arith.extui %sign3A_341 : i1 to i32
      %sign3A_343 = arith.constant 0 : i32
      %sign3A_344 = arith.cmpi slt, %jit3A, %sign3A_343 : i32
      %sign3A_345 = arith.extui %sign3A_344 : i1 to i32
      %sign3A_346 = arith.subi %sign3A_342, %sign3A_345 : i32
      %ne3A = arith.cmpi ne, %sign3A_339, %sign3A_346 : i32
      %rem3A = arith.remsi %scan3A_333, %jit3A : i32
      %ne3A_347 = arith.constant 0 : i32
      %ne3A_348 = arith.cmpi ne, %rem3A, %ne3A_347 : i32
      %and3A = arith.andi %ne3A, %ne3A_348 : i1
      %sub3A = arith.constant 1 : i32
      %sub3A_349 = arith.subi %div3A, %sub3A : i32
      %select_n3A = arith.select %and3A, %sub3A_349, %div3A : i32
      %jit3A_350 = arith.constant 4 : i32
      %eq3A = arith.constant 0 : i32
      %eq3A_351 = arith.cmpi eq, %jit3A_350, %eq3A : i32
      %jit3A_352 = arith.constant 1 : i32
      %select_n3A_353 = arith.select %eq3A_351, %jit3A_352, %jit3A_350 : i32
      %rem3A_354 = arith.remsi %scan3A_333, %select_n3A_353 : i32
      %ne3A_355 = arith.constant 0 : i32
      %ne3A_356 = arith.cmpi ne, %rem3A_354, %ne3A_355 : i32
      %lt3A = arith.constant 0 : i32
      %lt3A_357 = arith.cmpi slt, %rem3A_354, %lt3A : i32
      %lt3A_358 = arith.constant 0 : i32
      %lt3A_359 = arith.cmpi slt, %select_n3A_353, %lt3A_358 : i32
      %ne3A_360 = arith.xori %lt3A_357, %lt3A_359 : i1
      %and3A_361 = arith.andi %ne3A_360, %ne3A_356 : i1
      %add3A_362 = arith.addi %rem3A_354, %select_n3A_353 : i32
      %select_n3A_363 = arith.select %and3A_361, %add3A_362, %rem3A_354 : i32
      %mul3A_364 = arith.constant 16 : i32
      %mul3A_365 = arith.muli %select_n3A_363, %mul3A_364 : i32
      %swap3A_366 = arith.index_cast %select_n3A : i32 to index
      %swap3A_367 = arith.index_cast %mul3A_365 : i32 to index
      %swap3A_368 = tpu.vector_load %arg7[%swap3A_366, %swap3A_367] {strides = array<i32>} : memref<320x64xf32, #tpu.memory_space<vmem>>, vector<1x16xf32>,
      %swap3A_369 = vector.shape_cast %swap3A_368 : vector<1x16xf32> to vector<16xf32>
      %swap3A_370 = vector.shape_cast %broadcast_in_dim3A_16 : vector<16xf32> to vector<1x16xf32>
      tpu.vector_store %arg7[%swap3A_366, %swap3A_367], %swap3A_370 {strides = array<i32>} : memref<320x64xf32, #tpu.memory_space<vmem>>, vector<1x16xf32>,
    }
    %scan3A_21 = arith.constant 1280 : i32
    %add3A = arith.constant 0 : i32
    %add3A_22 = arith.addi %multiple_of3A, %add3A : i32
    "tpu.region"() ({
      %run_scoped3A = tpu.sem_alloc : memref<!tpu.dma_semaphore, #tpu.memory_space<semaphore_mem>>
      %dma_start3A_333 = arith.constant 0 : i32
      %dma_start3A_334 = arith.constant 0 : i32
      %dma_start3A_335 = tpu.memref_slice %arg7[%dma_start3A_333, %dma_start3A_334] : memref<320x64xf32, #tpu.memory_space<vmem>> -> memref<320x64xf32, #tpu.memory_space<vmem>>
      %dma_start3A_336 = arith.constant 0 : i32
      %dma_start3A_337 = tpu.memref_slice %arg6[%add3A_22, %dma_start3A_336] : memref<10112x64xf32, #tpu.memory_space<vmem_shared>> -> memref<320x64xf32, #tpu.memory_space<vmem_shared>>
      %dma_start3A_338 = arith.constant 0 : i32
      %dma_start3A_339 = tpu.memref_slice %arg6[%add3A_22, %dma_start3A_338] : memref<10112x64xf32, #tpu.memory_space<vmem_shared>> -> memref<320x64xf32, #tpu.memory_space<vmem_shared>>
      %dma_start3A_340 = arith.constant 0 : i32
      %dma_start3A_341 = arith.constant 0 : i32
      %dma_start3A_342 = tpu.memref_slice %arg7[%dma_start3A_340, %dma_start3A_341] : memref<320x64xf32, #tpu.memory_space<vmem>> -> memref<320x64xf32, #tpu.memory_space<vmem>>
      tpu.enqueue_dma source(%dma_start3A_342 : memref<320x64xf32, #tpu.memory_space<vmem>>) target(%dma_start3A_339 : memref<320x64xf32, #tpu.memory_space<vmem_shared>>) target_semaphore(%run_scoped3A : memref<!tpu.dma_semaphore, #tpu.memory_space<semaphore_mem>>)
      %dma_wait3A_343 = arith.constant 0 : i32
      %dma_wait3A_344 = arith.constant 0 : i32
      %dma_wait3A_345 = tpu.memref_slice %arg7[%dma_wait3A_343, %dma_wait3A_344] : memref<320x64xf32, #tpu.memory_space<vmem>> -> memref<320x64xf32, #tpu.memory_space<vmem>>
      %dma_wait3A_346 = arith.constant 0 : i32
      %dma_wait3A_347 = tpu.memref_slice %arg6[%add3A_22, %dma_wait3A_346] : memref<10112x64xf32, #tpu.memory_space<vmem_shared>> -> memref<320x64xf32, #tpu.memory_space<vmem_shared>>
      %dma_wait3A_348 = arith.constant 0 : i32
      %dma_wait3A_349 = tpu.memref_slice %arg6[%add3A_22, %dma_wait3A_348] : memref<10112x64xf32, #tpu.memory_space<vmem_shared>> -> memref<320x64xf32, #tpu.memory_space<vmem_shared>>
      %dma_wait3A_350 = arith.constant 0 : i32
      %dma_wait3A_351 = arith.constant 0 : i32
      %dma_wait3A_352 = tpu.memref_slice %arg7[%dma_wait3A_350, %dma_wait3A_351] : memref<320x64xf32, #tpu.memory_space<vmem>> -> memref<320x64xf32, #tpu.memory_space<vmem>>
      tpu.wait_dma2 semaphore(%run_scoped3A : memref<!tpu.dma_semaphore, #tpu.memory_space<semaphore_mem>>) src(%dma_wait3A_352 : memref<320x64xf32, #tpu.memory_space<vmem>>) dst(%dma_wait3A_349 : memref<320x64xf32, #tpu.memory_space<vmem_shared>>)
      tpu.yield
    }) : () -> ()
    %add3A_23 = arith.constant 320 : i32
    %add3A_24 = arith.addi %multiple_of3A, %add3A_23 : i32
    "tpu.region"() ({
      %run_scoped3A = tpu.sem_alloc : memref<!tpu.dma_semaphore, #tpu.memory_space<semaphore_mem>>
      %dma_start3A_333 = arith.constant 0 : i32
      %dma_start3A_334 = arith.constant 0 : i32
      %dma_start3A_335 = tpu.memref_slice %arg7[%dma_start3A_333, %dma_start3A_334] : memref<320x64xf32, #tpu.memory_space<vmem>> -> memref<312x64xf32, #tpu.memory_space<vmem>>
      %dma_start3A_336 = arith.constant 0 : i32
      %dma_start3A_337 = tpu.memref_slice %arg6[%add3A_24, %dma_start3A_336] : memref<10112x64xf32, #tpu.memory_space<vmem_shared>> -> memref<312x64xf32, #tpu.memory_space<vmem_shared>>
      %dma_start3A_338 = arith.constant 0 : i32
      %dma_start3A_339 = tpu.memref_slice %arg6[%add3A_24, %dma_start3A_338] : memref<10112x64xf32, #tpu.memory_space<vmem_shared>> -> memref<312x64xf32, #tpu.memory_space<vmem_shared>>
      %dma_start3A_340 = arith.constant 0 : i32
      %dma_start3A_341 = arith.constant 0 : i32
      %dma_start3A_342 = tpu.memref_slice %arg7[%dma_start3A_340, %dma_start3A_341] : memref<320x64xf32, #tpu.memory_space<vmem>> -> memref<312x64xf32, #tpu.memory_space<vmem>>
      tpu.enqueue_dma source(%dma_start3A_342 : memref<312x64xf32, #tpu.memory_space<vmem>>) target(%dma_start3A_339 : memref<312x64xf32, #tpu.memory_space<vmem_shared>>) target_semaphore(%run_scoped3A : memref<!tpu.dma_semaphore, #tpu.memory_space<semaphore_mem>>)
      %dma_wait3A_343 = arith.constant 0 : i32
      %dma_wait3A_344 = arith.constant 0 : i32
      %dma_wait3A_345 = tpu.memref_slice %arg7[%dma_wait3A_343, %dma_wait3A_344] : memref<320x64xf32, #tpu.memory_space<vmem>> -> memref<312x64xf32, #tpu.memory_space<vmem>>
      %dma_wait3A_346 = arith.constant 0 : i32
      %dma_wait3A_347 = tpu.memref_slice %arg6[%add3A_24, %dma_wait3A_346] : memref<10112x64xf32, #tpu.memory_space<vmem_shared>> -> memref<312x64xf32, #tpu.memory_space<vmem_shared>>
      %dma_wait3A_348 = arith.constant 0 : i32
      %dma_wait3A_349 = tpu.memref_slice %arg6[%add3A_24, %dma_wait3A_348] : memref<10112x64xf32, #tpu.memory_space<vmem_shared>> -> memref<312x64xf32, #tpu.memory_space<vmem_shared>>
      %dma_wait3A_350 = arith.constant 0 : i32
      %dma_wait3A_351 = arith.constant 0 : i32
      %dma_wait3A_352 = tpu.memref_slice %arg7[%dma_wait3A_350, %dma_wait3A_351] : memref<320x64xf32, #tpu.memory_space<vmem>> -> memref<312x64xf32, #tpu.memory_space<vmem>>
      tpu.wait_dma2 semaphore(%run_scoped3A : memref<!tpu.dma_semaphore, #tpu.memory_space<semaphore_mem>>) src(%dma_wait3A_352 : memref<312x64xf32, #tpu.memory_space<vmem>>) dst(%dma_wait3A_349 : memref<312x64xf32, #tpu.memory_space<vmem_shared>>)
      tpu.yield
    }) : () -> ()
    %dma_wait3A = arith.constant 0 : i32
    %dma_wait3A_25 = arith.constant 0 : i32
    %dma_wait3A_26 = tpu.memref_slice %arg3[%arg1, %dma_wait3A, %dma_wait3A_25] : memref<16x250x80xi32, #tpu.memory_space<hbm>> -> memref<1x250x80xi32, #tpu.memory_space<hbm>>
    %dma_wait3A_27 = tpu.memref_squeeze %dma_wait3A_26 : memref<1x250x80xi32, #tpu.memory_space<hbm>> -> memref<250x80xi32, #tpu.memory_space<hbm>>
    %dma_wait3A_28 = arith.constant 0 : i32
    %dma_wait3A_29 = arith.constant 0 : i32
    %dma_wait3A_30 = tpu.memref_slice %arg3[%arg1, %dma_wait3A_28, %dma_wait3A_29] : memref<16x250x80xi32, #tpu.memory_space<hbm>> -> memref<1x250x80xi32, #tpu.memory_space<hbm>>
    %dma_wait3A_31 = tpu.memref_squeeze %dma_wait3A_30 : memref<1x250x80xi32, #tpu.memory_space<hbm>> -> memref<250x80xi32, #tpu.memory_space<hbm>>
    tpu.wait_dma2 semaphore(%arg18 : memref<!tpu.dma_semaphore, #tpu.memory_space<semaphore_mem>>) src(%dma_wait3A_31 : memref<250x80xi32, #tpu.memory_space<hbm>>) dst(%arg8 : memref<250x80xi32, #tpu.memory_space<vmem>>)
    %dma_wait3A_32 = arith.constant 0 : i32
    %dma_wait3A_33 = arith.constant 0 : i32
    %dma_wait3A_34 = tpu.memref_slice %arg4[%arg1, %dma_wait3A_32, %dma_wait3A_33] : memref<16x250x80xi32, #tpu.memory_space<hbm>> -> memref<1x250x80xi32, #tpu.memory_space<hbm>>
    %dma_wait3A_35 = tpu.memref_squeeze %dma_wait3A_34 : memref<1x250x80xi32, #tpu.memory_space<hbm>> -> memref<250x80xi32, #tpu.memory_space<hbm>>
    %dma_wait3A_36 = arith.constant 0 : i32
    %dma_wait3A_37 = arith.constant 0 : i32
    %dma_wait3A_38 = tpu.memref_slice %arg4[%arg1, %dma_wait3A_36, %dma_wait3A_37] : memref<16x250x80xi32, #tpu.memory_space<hbm>> -> memref<1x250x80xi32, #tpu.memory_space<hbm>>
    %dma_wait3A_39 = tpu.memref_squeeze %dma_wait3A_38 : memref<1x250x80xi32, #tpu.memory_space<hbm>> -> memref<250x80xi32, #tpu.memory_space<hbm>>
    tpu.wait_dma2 semaphore(%arg19 : memref<!tpu.dma_semaphore, #tpu.memory_space<semaphore_mem>>) src(%dma_wait3A_39 : memref<250x80xi32, #tpu.memory_space<hbm>>) dst(%arg9 : memref<250x80xi32, #tpu.memory_space<vmem>>)
    %barrier3A = arith.constant 0 : index
    tpu.barrier barrier_id(%barrier3A)
    %get3A = arith.constant 0 : i32
    %get3A_40 = arith.index_cast %get3A : i32 to index
    %get3A_41 = arith.constant 0 : index
    %get3A_42 = tpu.vector_load %arg8[%get3A_40, %get3A_41] {strides = array<i32>} : memref<250x80xi32, #tpu.memory_space<vmem>>, vector<1x16xi32>,
    %get3A_43 = vector.shape_cast %get3A_42 : vector<1x16xi32> to vector<16xi32>
    %add3A_44 = arith.addi %get3A_43, %get3A_43 : vector<16xi32>
    %add3A_45 = vector.broadcast %arg0 : i32 to vector<16xi32>
    %add3A_46 = arith.addi %add3A_44, %add3A_45 : vector<16xi32>
    %swap3A = arith.constant 0 : i32
    %swap3A_47 = arith.index_cast %swap3A : i32 to index
    %swap3A_48 = arith.constant 0 : index
    %swap3A_49 = tpu.vector_load %arg8[%swap3A_47, %swap3A_48] {strides = array<i32>} : memref<250x80xi32, #tpu.memory_space<vmem>>, vector<1x16xi32>,
    %swap3A_50 = vector.shape_cast %swap3A_49 : vector<1x16xi32> to vector<16xi32>
    %swap3A_51 = vector.shape_cast %add3A_46 : vector<16xi32> to vector<1x16xi32>
    tpu.vector_store %arg8[%swap3A_47, %swap3A_48], %swap3A_51 {strides = array<i32>} : memref<250x80xi32, #tpu.memory_space<vmem>>, vector<1x16xi32>,
    %get3A_52 = arith.constant 0 : i32
    %get3A_53 = arith.index_cast %get3A_52 : i32 to index
    %get3A_54 = arith.constant 16 : index
    %get3A_55 = tpu.vector_load %arg8[%get3A_53, %get3A_54] {strides = array<i32>} : memref<250x80xi32, #tpu.memory_space<vmem>>, vector<1x16xi32>,
    %get3A_56 = vector.shape_cast %get3A_55 : vector<1x16xi32> to vector<16xi32>
    %add3A_57 = arith.addi %get3A_56, %get3A_56 : vector<16xi32>
    %add3A_58 = vector.broadcast %arg0 : i32 to vector<16xi32>
    %add3A_59 = arith.addi %add3A_57, %add3A_58 : vector<16xi32>
    %swap3A_60 = arith.constant 0 : i32
    %swap3A_61 = arith.index_cast %swap3A_60 : i32 to index
    %swap3A_62 = arith.constant 16 : index
    %swap3A_63 = tpu.vector_load %arg8[%swap3A_61, %swap3A_62] {strides = array<i32>} : memref<250x80xi32, #tpu.memory_space<vmem>>, vector<1x16xi32>,
    %swap3A_64 = vector.shape_cast %swap3A_63 : vector<1x16xi32> to vector<16xi32>
    %swap3A_65 = vector.shape_cast %add3A_59 : vector<16xi32> to vector<1x16xi32>
    tpu.vector_store %arg8[%swap3A_61, %swap3A_62], %swap3A_65 {strides = array<i32>} : memref<250x80xi32, #tpu.memory_space<vmem>>, vector<1x16xi32>,
    %get3A_66 = arith.constant 0 : i32
    %get3A_67 = arith.index_cast %get3A_66 : i32 to index
    %get3A_68 = arith.constant 32 : index
    %get3A_69 = tpu.vector_load %arg8[%get3A_67, %get3A_68] {strides = array<i32>} : memref<250x80xi32, #tpu.memory_space<vmem>>, vector<1x16xi32>,
    %get3A_70 = vector.shape_cast %get3A_69 : vector<1x16xi32> to vector<16xi32>
    %add3A_71 = arith.addi %get3A_70, %get3A_70 : vector<16xi32>
    %add3A_72 = vector.broadcast %arg0 : i32 to vector<16xi32>
    %add3A_73 = arith.addi %add3A_71, %add3A_72 : vector<16xi32>
    %swap3A_74 = arith.constant 0 : i32
    %swap3A_75 = arith.index_cast %swap3A_74 : i32 to index
    %swap3A_76 = arith.constant 32 : index
    %swap3A_77 = tpu.vector_load %arg8[%swap3A_75, %swap3A_76] {strides = array<i32>} : memref<250x80xi32, #tpu.memory_space<vmem>>, vector<1x16xi32>,
    %swap3A_78 = vector.shape_cast %swap3A_77 : vector<1x16xi32> to vector<16xi32>
    %swap3A_79 = vector.shape_cast %add3A_73 : vector<16xi32> to vector<1x16xi32>
    tpu.vector_store %arg8[%swap3A_75, %swap3A_76], %swap3A_79 {strides = array<i32>} : memref<250x80xi32, #tpu.memory_space<vmem>>, vector<1x16xi32>,
    %get3A_80 = arith.constant 0 : i32
    %get3A_81 = arith.index_cast %get3A_80 : i32 to index
    %get3A_82 = arith.constant 48 : index
    %get3A_83 = tpu.vector_load %arg8[%get3A_81, %get3A_82] {strides = array<i32>} : memref<250x80xi32, #tpu.memory_space<vmem>>, vector<1x16xi32>,
    %get3A_84 = vector.shape_cast %get3A_83 : vector<1x16xi32> to vector<16xi32>
    %add3A_85 = arith.addi %get3A_84, %get3A_84 : vector<16xi32>
    %add3A_86 = vector.broadcast %arg0 : i32 to vector<16xi32>
    %add3A_87 = arith.addi %add3A_85, %add3A_86 : vector<16xi32>
    %swap3A_88 = arith.constant 0 : i32
    %swap3A_89 = arith.index_cast %swap3A_88 : i32 to index
    %swap3A_90 = arith.constant 48 : index
    %swap3A_91 = tpu.vector_load %arg8[%swap3A_89, %swap3A_90] {strides = array<i32>} : memref<250x80xi32, #tpu.memory_space<vmem>>, vector<1x16xi32>,
    %swap3A_92 = vector.shape_cast %swap3A_91 : vector<1x16xi32> to vector<16xi32>
    %swap3A_93 = vector.shape_cast %add3A_87 : vector<16xi32> to vector<1x16xi32>
    tpu.vector_store %arg8[%swap3A_89, %swap3A_90], %swap3A_93 {strides = array<i32>} : memref<250x80xi32, #tpu.memory_space<vmem>>, vector<1x16xi32>,
    %get3A_94 = arith.constant 0 : i32
    %get3A_95 = arith.index_cast %get3A_94 : i32 to index
    %get3A_96 = arith.constant 64 : index
    %get3A_97 = tpu.vector_load %arg8[%get3A_95, %get3A_96] {strides = array<i32>} : memref<250x80xi32, #tpu.memory_space<vmem>>, vector<1x16xi32>,
    %get3A_98 = vector.shape_cast %get3A_97 : vector<1x16xi32> to vector<16xi32>
    %add3A_99 = arith.addi %get3A_98, %get3A_98 : vector<16xi32>
    %add3A_100 = vector.broadcast %arg0 : i32 to vector<16xi32>
    %add3A_101 = arith.addi %add3A_99, %add3A_100 : vector<16xi32>
    %swap3A_102 = arith.constant 0 : i32
    %swap3A_103 = arith.index_cast %swap3A_102 : i32 to index
    %swap3A_104 = arith.constant 64 : index
    %swap3A_105 = tpu.vector_load %arg8[%swap3A_103, %swap3A_104] {strides = array<i32>} : memref<250x80xi32, #tpu.memory_space<vmem>>, vector<1x16xi32>,
    %swap3A_106 = vector.shape_cast %swap3A_105 : vector<1x16xi32> to vector<16xi32>
    %swap3A_107 = vector.shape_cast %add3A_101 : vector<16xi32> to vector<1x16xi32>
    tpu.vector_store %arg8[%swap3A_103, %swap3A_104], %swap3A_107 {strides = array<i32>} : memref<250x80xi32, #tpu.memory_space<vmem>>, vector<1x16xi32>,
    %dma_start3A_108 = arith.constant 0 : i32
    %dma_start3A_109 = arith.constant 0 : i32
    %dma_start3A_110 = tpu.memref_slice %arg8[%dma_start3A_108, %dma_start3A_109] : memref<250x80xi32, #tpu.memory_space<vmem>> -> memref<1x80xi32, #tpu.memory_space<vmem>>
    %dma_start3A_111 = tpu.memref_squeeze %dma_start3A_110 : memref<1x80xi32, #tpu.memory_space<vmem>> -> memref<80xi32, #tpu.memory_space<vmem>>
    %dma_start3A_112 = arith.constant 0 : i32
    %dma_start3A_113 = arith.constant 0 : i32
    %dma_start3A_114 = tpu.memref_slice %arg2[%dma_start3A_112, %dma_start3A_113] : memref<20000x64xf32, #tpu.memory_space<hbm>> -> memref<20000x64xf32, #tpu.memory_space<hbm>>
    tpu.enqueue_indirect_dma source(%dma_start3A_114 : memref<20000x64xf32, #tpu.memory_space<hbm>>) target(%arg10 : memref<80x64xf32, #tpu.memory_space<vmem>>) offsets(%dma_start3A_111 : memref<80xi32, #tpu.memory_space<vmem>>) semaphore(%arg14 : memref<!tpu.dma_semaphore, #tpu.memory_space<semaphore_mem>>)
    %get3A_115 = arith.constant 1 : i32
    %get3A_116 = arith.index_cast %get3A_115 : i32 to index
    %get3A_117 = arith.constant 0 : index
    %get3A_118 = tpu.vector_load %arg8[%get3A_116, %get3A_117] {strides = array<i32>} : memref<250x80xi32, #tpu.memory_space<vmem>>, vector<1x16xi32>,
    %get3A_119 = vector.shape_cast %get3A_118 : vector<1x16xi32> to vector<16xi32>
    %add3A_120 = arith.addi %get3A_119, %get3A_119 : vector<16xi32>
    %add3A_121 = vector.broadcast %arg0 : i32 to vector<16xi32>
    %add3A_122 = arith.addi %add3A_120, %add3A_121 : vector<16xi32>
    %swap3A_123 = arith.constant 1 : i32
    %swap3A_124 = arith.index_cast %swap3A_123 : i32 to index
    %swap3A_125 = arith.constant 0 : index
    %swap3A_126 = tpu.vector_load %arg8[%swap3A_124, %swap3A_125] {strides = array<i32>} : memref<250x80xi32, #tpu.memory_space<vmem>>, vector<1x16xi32>,
    %swap3A_127 = vector.shape_cast %swap3A_126 : vector<1x16xi32> to vector<16xi32>
    %swap3A_128 = vector.shape_cast %add3A_122 : vector<16xi32> to vector<1x16xi32>
    tpu.vector_store %arg8[%swap3A_124, %swap3A_125], %swap3A_128 {strides = array<i32>} : memref<250x80xi32, #tpu.memory_space<vmem>>, vector<1x16xi32>,
    %get3A_129 = arith.constant 1 : i32
    %get3A_130 = arith.index_cast %get3A_129 : i32 to index
    %get3A_131 = arith.constant 16 : index
    %get3A_132 = tpu.vector_load %arg8[%get3A_130, %get3A_131] {strides = array<i32>} : memref<250x80xi32, #tpu.memory_space<vmem>>, vector<1x16xi32>,
    %get3A_133 = vector.shape_cast %get3A_132 : vector<1x16xi32> to vector<16xi32>
    %add3A_134 = arith.addi %get3A_133, %get3A_133 : vector<16xi32>
    %add3A_135 = vector.broadcast %arg0 : i32 to vector<16xi32>
    %add3A_136 = arith.addi %add3A_134, %add3A_135 : vector<16xi32>
    %swap3A_137 = arith.constant 1 : i32
    %swap3A_138 = arith.index_cast %swap3A_137 : i32 to index
    %swap3A_139 = arith.constant 16 : index
    %swap3A_140 = tpu.vector_load %arg8[%swap3A_138, %swap3A_139] {strides = array<i32>} : memref<250x80xi32, #tpu.memory_space<vmem>>, vector<1x16xi32>,
    %swap3A_141 = vector.shape_cast %swap3A_140 : vector<1x16xi32> to vector<16xi32>
    %swap3A_142 = vector.shape_cast %add3A_136 : vector<16xi32> to vector<1x16xi32>
    tpu.vector_store %arg8[%swap3A_138, %swap3A_139], %swap3A_142 {strides = array<i32>} : memref<250x80xi32, #tpu.memory_space<vmem>>, vector<1x16xi32>,
    %get3A_143 = arith.constant 1 : i32
    %get3A_144 = arith.index_cast %get3A_143 : i32 to index
    %get3A_145 = arith.constant 32 : index
    %get3A_146 = tpu.vector_load %arg8[%get3A_144, %get3A_145] {strides = array<i32>} : memref<250x80xi32, #tpu.memory_space<vmem>>, vector<1x16xi32>,
    %get3A_147 = vector.shape_cast %get3A_146 : vector<1x16xi32> to vector<16xi32>
    %add3A_148 = arith.addi %get3A_147, %get3A_147 : vector<16xi32>
    %add3A_149 = vector.broadcast %arg0 : i32 to vector<16xi32>
    %add3A_150 = arith.addi %add3A_148, %add3A_149 : vector<16xi32>
    %swap3A_151 = arith.constant 1 : i32
    %swap3A_152 = arith.index_cast %swap3A_151 : i32 to index
    %swap3A_153 = arith.constant 32 : index
    %swap3A_154 = tpu.vector_load %arg8[%swap3A_152, %swap3A_153] {strides = array<i32>} : memref<250x80xi32, #tpu.memory_space<vmem>>, vector<1x16xi32>,
    %swap3A_155 = vector.shape_cast %swap3A_154 : vector<1x16xi32> to vector<16xi32>
    %swap3A_156 = vector.shape_cast %add3A_150 : vector<16xi32> to vector<1x16xi32>
    tpu.vector_store %arg8[%swap3A_152, %swap3A_153], %swap3A_156 {strides = array<i32>} : memref<250x80xi32, #tpu.memory_space<vmem>>, vector<1x16xi32>,
    %get3A_157 = arith.constant 1 : i32
    %get3A_158 = arith.index_cast %get3A_157 : i32 to index
    %get3A_159 = arith.constant 48 : index
    %get3A_160 = tpu.vector_load %arg8[%get3A_158, %get3A_159] {strides = array<i32>} : memref<250x80xi32, #tpu.memory_space<vmem>>, vector<1x16xi32>,
    %get3A_161 = vector.shape_cast %get3A_160 : vector<1x16xi32> to vector<16xi32>
    %add3A_162 = arith.addi %get3A_161, %get3A_161 : vector<16xi32>
    %add3A_163 = vector.broadcast %arg0 : i32 to vector<16xi32>
    %add3A_164 = arith.addi %add3A_162, %add3A_163 : vector<16xi32>
    %swap3A_165 = arith.constant 1 : i32
    %swap3A_166 = arith.index_cast %swap3A_165 : i32 to index
    %swap3A_167 = arith.constant 48 : index
    %swap3A_168 = tpu.vector_load %arg8[%swap3A_166, %swap3A_167] {strides = array<i32>} : memref<250x80xi32, #tpu.memory_space<vmem>>, vector<1x16xi32>,
    %swap3A_169 = vector.shape_cast %swap3A_168 : vector<1x16xi32> to vector<16xi32>
    %swap3A_170 = vector.shape_cast %add3A_164 : vector<16xi32> to vector<1x16xi32>
    tpu.vector_store %arg8[%swap3A_166, %swap3A_167], %swap3A_170 {strides = array<i32>} : memref<250x80xi32, #tpu.memory_space<vmem>>, vector<1x16xi32>,
    %get3A_171 = arith.constant 1 : i32
    %get3A_172 = arith.index_cast %get3A_171 : i32 to index
    %get3A_173 = arith.constant 64 : index
    %get3A_174 = tpu.vector_load %arg8[%get3A_172, %get3A_173] {strides = array<i32>} : memref<250x80xi32, #tpu.memory_space<vmem>>, vector<1x16xi32>,
    %get3A_175 = vector.shape_cast %get3A_174 : vector<1x16xi32> to vector<16xi32>
    %add3A_176 = arith.addi %get3A_175, %get3A_175 : vector<16xi32>
    %add3A_177 = vector.broadcast %arg0 : i32 to vector<16xi32>
    %add3A_178 = arith.addi %add3A_176, %add3A_177 : vector<16xi32>
    %swap3A_179 = arith.constant 1 : i32
    %swap3A_180 = arith.index_cast %swap3A_179 : i32 to index
    %swap3A_181 = arith.constant 64 : index
    %swap3A_182 = tpu.vector_load %arg8[%swap3A_180, %swap3A_181] {strides = array<i32>} : memref<250x80xi32, #tpu.memory_space<vmem>>, vector<1x16xi32>,
    %swap3A_183 = vector.shape_cast %swap3A_182 : vector<1x16xi32> to vector<16xi32>
    %swap3A_184 = vector.shape_cast %add3A_178 : vector<16xi32> to vector<1x16xi32>
    tpu.vector_store %arg8[%swap3A_180, %swap3A_181], %swap3A_184 {strides = array<i32>} : memref<250x80xi32, #tpu.memory_space<vmem>>, vector<1x16xi32>,
    %dma_start3A_185 = arith.constant 1 : i32
    %dma_start3A_186 = arith.constant 0 : i32
    %dma_start3A_187 = tpu.memref_slice %arg8[%dma_start3A_185, %dma_start3A_186] : memref<250x80xi32, #tpu.memory_space<vmem>> -> memref<1x80xi32, #tpu.memory_space<vmem>>
    %dma_start3A_188 = tpu.memref_squeeze %dma_start3A_187 : memref<1x80xi32, #tpu.memory_space<vmem>> -> memref<80xi32, #tpu.memory_space<vmem>>
    %dma_start3A_189 = arith.constant 0 : i32
    %dma_start3A_190 = arith.constant 0 : i32
    %dma_start3A_191 = tpu.memref_slice %arg2[%dma_start3A_189, %dma_start3A_190] : memref<20000x64xf32, #tpu.memory_space<hbm>> -> memref<20000x64xf32, #tpu.memory_space<hbm>>
    tpu.enqueue_indirect_dma source(%dma_start3A_191 : memref<20000x64xf32, #tpu.memory_space<hbm>>) target(%arg11 : memref<80x64xf32, #tpu.memory_space<vmem>>) offsets(%dma_start3A_188 : memref<80xi32, #tpu.memory_space<vmem>>) semaphore(%arg15 : memref<!tpu.dma_semaphore, #tpu.memory_space<semaphore_mem>>)
    %get3A_192 = arith.constant 2 : i32
    %get3A_193 = arith.index_cast %get3A_192 : i32 to index
    %get3A_194 = arith.constant 0 : index
    %get3A_195 = tpu.vector_load %arg8[%get3A_193, %get3A_194] {strides = array<i32>} : memref<250x80xi32, #tpu.memory_space<vmem>>, vector<1x16xi32>,
    %get3A_196 = vector.shape_cast %get3A_195 : vector<1x16xi32> to vector<16xi32>
    %add3A_197 = arith.addi %get3A_196, %get3A_196 : vector<16xi32>
    %add3A_198 = vector.broadcast %arg0 : i32 to vector<16xi32>
    %add3A_199 = arith.addi %add3A_197, %add3A_198 : vector<16xi32>
    %swap3A_200 = arith.constant 2 : i32
    %swap3A_201 = arith.index_cast %swap3A_200 : i32 to index
    %swap3A_202 = arith.constant 0 : index
    %swap3A_203 = tpu.vector_load %arg8[%swap3A_201, %swap3A_202] {strides = array<i32>} : memref<250x80xi32, #tpu.memory_space<vmem>>, vector<1x16xi32>,
    %swap3A_204 = vector.shape_cast %swap3A_203 : vector<1x16xi32> to vector<16xi32>
    %swap3A_205 = vector.shape_cast %add3A_199 : vector<16xi32> to vector<1x16xi32>
    tpu.vector_store %arg8[%swap3A_201, %swap3A_202], %swap3A_205 {strides = array<i32>} : memref<250x80xi32, #tpu.memory_space<vmem>>, vector<1x16xi32>,
    %get3A_206 = arith.constant 2 : i32
    %get3A_207 = arith.index_cast %get3A_206 : i32 to index
    %get3A_208 = arith.constant 16 : index
    %get3A_209 = tpu.vector_load %arg8[%get3A_207, %get3A_208] {strides = array<i32>} : memref<250x80xi32, #tpu.memory_space<vmem>>, vector<1x16xi32>,
    %get3A_210 = vector.shape_cast %get3A_209 : vector<1x16xi32> to vector<16xi32>
    %add3A_211 = arith.addi %get3A_210, %get3A_210 : vector<16xi32>
    %add3A_212 = vector.broadcast %arg0 : i32 to vector<16xi32>
    %add3A_213 = arith.addi %add3A_211, %add3A_212 : vector<16xi32>
    %swap3A_214 = arith.constant 2 : i32
    %swap3A_215 = arith.index_cast %swap3A_214 : i32 to index
    %swap3A_216 = arith.constant 16 : index
    %swap3A_217 = tpu.vector_load %arg8[%swap3A_215, %swap3A_216] {strides = array<i32>} : memref<250x80xi32, #tpu.memory_space<vmem>>, vector<1x16xi32>,
    %swap3A_218 = vector.shape_cast %swap3A_217 : vector<1x16xi32> to vector<16xi32>
    %swap3A_219 = vector.shape_cast %add3A_213 : vector<16xi32> to vector<1x16xi32>
    tpu.vector_store %arg8[%swap3A_215, %swap3A_216], %swap3A_219 {strides = array<i32>} : memref<250x80xi32, #tpu.memory_space<vmem>>, vector<1x16xi32>,
    %get3A_220 = arith.constant 2 : i32
    %get3A_221 = arith.index_cast %get3A_220 : i32 to index
    %get3A_222 = arith.constant 32 : index
    %get3A_223 = tpu.vector_load %arg8[%get3A_221, %get3A_222] {strides = array<i32>} : memref<250x80xi32, #tpu.memory_space<vmem>>, vector<1x16xi32>,
    %get3A_224 = vector.shape_cast %get3A_223 : vector<1x16xi32> to vector<16xi32>
    %add3A_225 = arith.addi %get3A_224, %get3A_224 : vector<16xi32>
    %add3A_226 = vector.broadcast %arg0 : i32 to vector<16xi32>
    %add3A_227 = arith.addi %add3A_225, %add3A_226 : vector<16xi32>
    %swap3A_228 = arith.constant 2 : i32
    %swap3A_229 = arith.index_cast %swap3A_228 : i32 to index
    %swap3A_230 = arith.constant 32 : index
    %swap3A_231 = tpu.vector_load %arg8[%swap3A_229, %swap3A_230] {strides = array<i32>} : memref<250x80xi32, #tpu.memory_space<vmem>>, vector<1x16xi32>,
    %swap3A_232 = vector.shape_cast %swap3A_231 : vector<1x16xi32> to vector<16xi32>
    %swap3A_233 = vector.shape_cast %add3A_227 : vector<16xi32> to vector<1x16xi32>
    tpu.vector_store %arg8[%swap3A_229, %swap3A_230], %swap3A_233 {strides = array<i32>} : memref<250x80xi32, #tpu.memory_space<vmem>>, vector<1x16xi32>,
    %get3A_234 = arith.constant 2 : i32
    %get3A_235 = arith.index_cast %get3A_234 : i32 to index
    %get3A_236 = arith.constant 48 : index
    %get3A_237 = tpu.vector_load %arg8[%get3A_235, %get3A_236] {strides = array<i32>} : memref<250x80xi32, #tpu.memory_space<vmem>>, vector<1x16xi32>,
    %get3A_238 = vector.shape_cast %get3A_237 : vector<1x16xi32> to vector<16xi32>
    %add3A_239 = arith.addi %get3A_238, %get3A_238 : vector<16xi32>
    %add3A_240 = vector.broadcast %arg0 : i32 to vector<16xi32>
    %add3A_241 = arith.addi %add3A_239, %add3A_240 : vector<16xi32>
    %swap3A_242 = arith.constant 2 : i32
    %swap3A_243 = arith.index_cast %swap3A_242 : i32 to index
    %swap3A_244 = arith.constant 48 : index
    %swap3A_245 = tpu.vector_load %arg8[%swap3A_243, %swap3A_244] {strides = array<i32>} : memref<250x80xi32, #tpu.memory_space<vmem>>, vector<1x16xi32>,
    %swap3A_246 = vector.shape_cast %swap3A_245 : vector<1x16xi32> to vector<16xi32>
    %swap3A_247 = vector.shape_cast %add3A_241 : vector<16xi32> to vector<1x16xi32>
    tpu.vector_store %arg8[%swap3A_243, %swap3A_244], %swap3A_247 {strides = array<i32>} : memref<250x80xi32, #tpu.memory_space<vmem>>, vector<1x16xi32>,
    %get3A_248 = arith.constant 2 : i32
    %get3A_249 = arith.index_cast %get3A_248 : i32 to index
    %get3A_250 = arith.constant 64 : index
    %get3A_251 = tpu.vector_load %arg8[%get3A_249, %get3A_250] {strides = array<i32>} : memref<250x80xi32, #tpu.memory_space<vmem>>, vector<1x16xi32>,
    %get3A_252 = vector.shape_cast %get3A_251 : vector<1x16xi32> to vector<16xi32>
    %add3A_253 = arith.addi %get3A_252, %get3A_252 : vector<16xi32>
    %add3A_254 = vector.broadcast %arg0 : i32 to vector<16xi32>
    %add3A_255 = arith.addi %add3A_253, %add3A_254 : vector<16xi32>
    %swap3A_256 = arith.constant 2 : i32
    %swap3A_257 = arith.index_cast %swap3A_256 : i32 to index
    %swap3A_258 = arith.constant 64 : index
    %swap3A_259 = tpu.vector_load %arg8[%swap3A_257, %swap3A_258] {strides = array<i32>} : memref<250x80xi32, #tpu.memory_space<vmem>>, vector<1x16xi32>,
    %swap3A_260 = vector.shape_cast %swap3A_259 : vector<1x16xi32> to vector<16xi32>
    %swap3A_261 = vector.shape_cast %add3A_255 : vector<16xi32> to vector<1x16xi32>
    tpu.vector_store %arg8[%swap3A_257, %swap3A_258], %swap3A_261 {strides = array<i32>} : memref<250x80xi32, #tpu.memory_space<vmem>>, vector<1x16xi32>,
    %dma_start3A_262 = arith.constant 2 : i32
    %dma_start3A_263 = arith.constant 0 : i32
    %dma_start3A_264 = tpu.memref_slice %arg8[%dma_start3A_262, %dma_start3A_263] : memref<250x80xi32, #tpu.memory_space<vmem>> -> memref<1x80xi32, #tpu.memory_space<vmem>>
    %dma_start3A_265 = tpu.memref_squeeze %dma_start3A_264 : memref<1x80xi32, #tpu.memory_space<vmem>> -> memref<80xi32, #tpu.memory_space<vmem>>
    %dma_start3A_266 = arith.constant 0 : i32
    %dma_start3A_267 = arith.constant 0 : i32
    %dma_start3A_268 = tpu.memref_slice %arg2[%dma_start3A_266, %dma_start3A_267] : memref<20000x64xf32, #tpu.memory_space<hbm>> -> memref<20000x64xf32, #tpu.memory_space<hbm>>
    tpu.enqueue_indirect_dma source(%dma_start3A_268 : memref<20000x64xf32, #tpu.memory_space<hbm>>) target(%arg12 : memref<80x64xf32, #tpu.memory_space<vmem>>) offsets(%dma_start3A_265 : memref<80xi32, #tpu.memory_space<vmem>>) semaphore(%arg16 : memref<!tpu.dma_semaphore, #tpu.memory_space<semaphore_mem>>)
    %scan3A_269 = arith.constant 0 : i32
    %scan3A_270 = arith.constant 0 : i32
    %scan3A_271 = arith.constant 62 : i32
    %scan3A_272 = arith.addi %scan3A_270, %scan3A_271 : i32
    %scan3A_273 = arith.constant 1 : i32
    scf.for %scan3A_333 = %scan3A_270 to %scan3A_272 step %scan3A_273  : i32 {
      %mul3A_334 = arith.constant 4 : i32
      %mul3A_335 = arith.muli %scan3A_333, %mul3A_334 : i32
      %add3A_336 = arith.constant 0 : i32
      %add3A_337 = arith.addi %mul3A_335, %add3A_336 : i32
      %dma_wait3A_338 = arith.constant 0 : i32
      %dma_wait3A_339 = tpu.memref_slice %arg8[%add3A_337, %dma_wait3A_338] : memref<250x80xi32, #tpu.memory_space<vmem>> -> memref<1x80xi32, #tpu.memory_space<vmem>>
      %dma_wait3A_340 = tpu.memref_squeeze %dma_wait3A_339 : memref<1x80xi32, #tpu.memory_space<vmem>> -> memref<80xi32, #tpu.memory_space<vmem>>
      %dma_wait3A_341 = arith.constant 0 : i32
      %dma_wait3A_342 = arith.constant 0 : i32
      %dma_wait3A_343 = tpu.memref_slice %arg2[%dma_wait3A_341, %dma_wait3A_342] : memref<20000x64xf32, #tpu.memory_space<hbm>> -> memref<20000x64xf32, #tpu.memory_space<hbm>>
      tpu.wait_indirect_dma semaphore(%arg14 : memref<!tpu.dma_semaphore, #tpu.memory_space<semaphore_mem>>) src(%dma_wait3A_343 : memref<20000x64xf32, #tpu.memory_space<hbm>>) dst(%arg10 : memref<80x64xf32, #tpu.memory_space<vmem>>)
      %dma_start3A_344 = arith.constant 0 : i32
      %dma_start3A_345 = tpu.memref_slice %arg9[%add3A_337, %dma_start3A_344] : memref<250x80xi32, #tpu.memory_space<vmem>> -> memref<1x80xi32, #tpu.memory_space<vmem>>
      %dma_start3A_346 = tpu.memref_squeeze %dma_start3A_345 : memref<1x80xi32, #tpu.memory_space<vmem>> -> memref<80xi32, #tpu.memory_space<vmem>>
      %dma_start3A_347 = arith.constant 0 : i32
      %dma_start3A_348 = arith.constant 0 : i32
      %dma_start3A_349 = tpu.memref_slice %arg6[%dma_start3A_347, %dma_start3A_348] : memref<10112x64xf32, #tpu.memory_space<vmem_shared>> -> memref<10112x64xf32, #tpu.memory_space<vmem_shared>>
      tpu.enqueue_indirect_dma source(%arg10 : memref<80x64xf32, #tpu.memory_space<vmem>>) target(%dma_start3A_349 : memref<10112x64xf32, #tpu.memory_space<vmem_shared>>) offsets(%dma_start3A_346 : memref<80xi32, #tpu.memory_space<vmem>>) semaphore(%arg14 : memref<!tpu.dma_semaphore, #tpu.memory_space<semaphore_mem>>) {add = true}
      %gt3A = arith.constant 0 : i32
      %gt3A_350 = arith.cmpi sgt, %scan3A_333, %gt3A : i32
      %convert_element_type3A = arith.extui %gt3A_350 : i1 to i32
      %cond3A = arith.constant 0 : i32
      %cond3A_351 = arith.cmpi ne, %convert_element_type3A, %cond3A : i32
      scf.if %cond3A_351 {
        %sub3A_452 = arith.constant 1 : i32
        %sub3A_453 = arith.subi %add3A_337, %sub3A_452 : i32
        %dma_wait3A_454 = arith.constant 0 : i32
        %dma_wait3A_455 = tpu.memref_slice %arg9[%sub3A_453, %dma_wait3A_454] : memref<250x80xi32, #tpu.memory_space<vmem>> -> memref<1x80xi32, #tpu.memory_space<vmem>>
        %dma_wait3A_456 = tpu.memref_squeeze %dma_wait3A_455 : memref<1x80xi32, #tpu.memory_space<vmem>> -> memref<80xi32, #tpu.memory_space<vmem>>
        %dma_wait3A_457 = arith.constant 0 : i32
        %dma_wait3A_458 = arith.constant 0 : i32
        %dma_wait3A_459 = tpu.memref_slice %arg6[%dma_wait3A_457, %dma_wait3A_458] : memref<10112x64xf32, #tpu.memory_space<vmem_shared>> -> memref<10112x64xf32, #tpu.memory_space<vmem_shared>>
        tpu.wait_indirect_dma semaphore(%arg17 : memref<!tpu.dma_semaphore, #tpu.memory_space<semaphore_mem>>) src(%arg13 : memref<80x64xf32, #tpu.memory_space<vmem>>) dst(%dma_wait3A_459 : memref<10112x64xf32, #tpu.memory_space<vmem_shared>>)
      } else {
      }
      %add3A_352 = arith.constant 4 : i32
      %add3A_353 = arith.addi %add3A_337, %add3A_352 : i32
      %sub3A = arith.constant 1 : i32
      %sub3A_354 = arith.subi %add3A_353, %sub3A : i32
      %lt3A = arith.constant 250 : i32
      %lt3A_355 = arith.cmpi slt, %sub3A_354, %lt3A : i32
      %convert_element_type3A_356 = arith.extui %lt3A_355 : i1 to i32
      %cond3A_357 = arith.constant 0 : i32
      %cond3A_358 = arith.cmpi ne, %convert_element_type3A_356, %cond3A_357 : i32
      scf.if %cond3A_358 {
        %add3A_452 = arith.constant 4 : i32
        %add3A_453 = arith.addi %add3A_337, %add3A_452 : i32
        %sub3A_454 = arith.constant 1 : i32
        %sub3A_455 = arith.subi %add3A_453, %sub3A_454 : i32
        %get3A_456 = arith.index_cast %sub3A_455 : i32 to index
        %get3A_457 = arith.constant 0 : index
        %get3A_458 = tpu.vector_load %arg8[%get3A_456, %get3A_457] {strides = array<i32>} : memref<250x80xi32, #tpu.memory_space<vmem>>, vector<1x16xi32>,
        %get3A_459 = vector.shape_cast %get3A_458 : vector<1x16xi32> to vector<16xi32>
        %add3A_460 = arith.addi %get3A_459, %get3A_459 : vector<16xi32>
        %add3A_461 = vector.broadcast %arg0 : i32 to vector<16xi32>
        %add3A_462 = arith.addi %add3A_460, %add3A_461 : vector<16xi32>
        %swap3A_463 = arith.index_cast %sub3A_455 : i32 to index
        %swap3A_464 = arith.constant 0 : index
        %swap3A_465 = tpu.vector_load %arg8[%swap3A_463, %swap3A_464] {strides = array<i32>} : memref<250x80xi32, #tpu.memory_space<vmem>>, vector<1x16xi32>,
        %swap3A_466 = vector.shape_cast %swap3A_465 : vector<1x16xi32> to vector<16xi32>
        %swap3A_467 = vector.shape_cast %add3A_462 : vector<16xi32> to vector<1x16xi32>
        tpu.vector_store %arg8[%swap3A_463, %swap3A_464], %swap3A_467 {strides = array<i32>} : memref<250x80xi32, #tpu.memory_space<vmem>>, vector<1x16xi32>,
        %get3A_468 = arith.index_cast %sub3A_455 : i32 to index
        %get3A_469 = arith.constant 16 : index
        %get3A_470 = tpu.vector_load %arg8[%get3A_468, %get3A_469] {strides = array<i32>} : memref<250x80xi32, #tpu.memory_space<vmem>>, vector<1x16xi32>,
        %get3A_471 = vector.shape_cast %get3A_470 : vector<1x16xi32> to vector<16xi32>
        %add3A_472 = arith.addi %get3A_471, %get3A_471 : vector<16xi32>
        %add3A_473 = vector.broadcast %arg0 : i32 to vector<16xi32>
        %add3A_474 = arith.addi %add3A_472, %add3A_473 : vector<16xi32>
        %swap3A_475 = arith.index_cast %sub3A_455 : i32 to index
        %swap3A_476 = arith.constant 16 : index
        %swap3A_477 = tpu.vector_load %arg8[%swap3A_475, %swap3A_476] {strides = array<i32>} : memref<250x80xi32, #tpu.memory_space<vmem>>, vector<1x16xi32>,
        %swap3A_478 = vector.shape_cast %swap3A_477 : vector<1x16xi32> to vector<16xi32>
        %swap3A_479 = vector.shape_cast %add3A_474 : vector<16xi32> to vector<1x16xi32>
        tpu.vector_store %arg8[%swap3A_475, %swap3A_476], %swap3A_479 {strides = array<i32>} : memref<250x80xi32, #tpu.memory_space<vmem>>, vector<1x16xi32>,
        %get3A_480 = arith.index_cast %sub3A_455 : i32 to index
        %get3A_481 = arith.constant 32 : index
        %get3A_482 = tpu.vector_load %arg8[%get3A_480, %get3A_481] {strides = array<i32>} : memref<250x80xi32, #tpu.memory_space<vmem>>, vector<1x16xi32>,
        %get3A_483 = vector.shape_cast %get3A_482 : vector<1x16xi32> to vector<16xi32>
        %add3A_484 = arith.addi %get3A_483, %get3A_483 : vector<16xi32>
        %add3A_485 = vector.broadcast %arg0 : i32 to vector<16xi32>
        %add3A_486 = arith.addi %add3A_484, %add3A_485 : vector<16xi32>
        %swap3A_487 = arith.index_cast %sub3A_455 : i32 to index
        %swap3A_488 = arith.constant 32 : index
        %swap3A_489 = tpu.vector_load %arg8[%swap3A_487, %swap3A_488] {strides = array<i32>} : memref<250x80xi32, #tpu.memory_space<vmem>>, vector<1x16xi32>,
        %swap3A_490 = vector.shape_cast %swap3A_489 : vector<1x16xi32> to vector<16xi32>
        %swap3A_491 = vector.shape_cast %add3A_486 : vector<16xi32> to vector<1x16xi32>
        tpu.vector_store %arg8[%swap3A_487, %swap3A_488], %swap3A_491 {strides = array<i32>} : memref<250x80xi32, #tpu.memory_space<vmem>>, vector<1x16xi32>,
        %get3A_492 = arith.index_cast %sub3A_455 : i32 to index
        %get3A_493 = arith.constant 48 : index
        %get3A_494 = tpu.vector_load %arg8[%get3A_492, %get3A_493] {strides = array<i32>} : memref<250x80xi32, #tpu.memory_space<vmem>>, vector<1x16xi32>,
        %get3A_495 = vector.shape_cast %get3A_494 : vector<1x16xi32> to vector<16xi32>
        %add3A_496 = arith.addi %get3A_495, %get3A_495 : vector<16xi32>
        %add3A_497 = vector.broadcast %arg0 : i32 to vector<16xi32>
        %add3A_498 = arith.addi %add3A_496, %add3A_497 : vector<16xi32>
        %swap3A_499 = arith.index_cast %sub3A_455 : i32 to index
        %swap3A_500 = arith.constant 48 : index
        %swap3A_501 = tpu.vector_load %arg8[%swap3A_499, %swap3A_500] {strides = array<i32>} : memref<250x80xi32, #tpu.memory_space<vmem>>, vector<1x16xi32>,
        %swap3A_502 = vector.shape_cast %swap3A_501 : vector<1x16xi32> to vector<16xi32>
        %swap3A_503 = vector.shape_cast %add3A_498 : vector<16xi32> to vector<1x16xi32>
        tpu.vector_store %arg8[%swap3A_499, %swap3A_500], %swap3A_503 {strides = array<i32>} : memref<250x80xi32, #tpu.memory_space<vmem>>, vector<1x16xi32>,
        %get3A_504 = arith.index_cast %sub3A_455 : i32 to index
        %get3A_505 = arith.constant 64 : index
        %get3A_506 = tpu.vector_load %arg8[%get3A_504, %get3A_505] {strides = array<i32>} : memref<250x80xi32, #tpu.memory_space<vmem>>, vector<1x16xi32>,
        %get3A_507 = vector.shape_cast %get3A_506 : vector<1x16xi32> to vector<16xi32>
        %add3A_508 = arith.addi %get3A_507, %get3A_507 : vector<16xi32>
        %add3A_509 = vector.broadcast %arg0 : i32 to vector<16xi32>
        %add3A_510 = arith.addi %add3A_508, %add3A_509 : vector<16xi32>
        %swap3A_511 = arith.index_cast %sub3A_455 : i32 to index
        %swap3A_512 = arith.constant 64 : index
        %swap3A_513 = tpu.vector_load %arg8[%swap3A_511, %swap3A_512] {strides = array<i32>} : memref<250x80xi32, #tpu.memory_space<vmem>>, vector<1x16xi32>,
        %swap3A_514 = vector.shape_cast %swap3A_513 : vector<1x16xi32> to vector<16xi32>
        %swap3A_515 = vector.shape_cast %add3A_510 : vector<16xi32> to vector<1x16xi32>
        tpu.vector_store %arg8[%swap3A_511, %swap3A_512], %swap3A_515 {strides = array<i32>} : memref<250x80xi32, #tpu.memory_space<vmem>>, vector<1x16xi32>,
        %add3A_516 = arith.constant 4 : i32
        %add3A_517 = arith.addi %add3A_337, %add3A_516 : i32
        %sub3A_518 = arith.constant 1 : i32
        %sub3A_519 = arith.subi %add3A_517, %sub3A_518 : i32
        %dma_start3A_520 = arith.constant 0 : i32
        %dma_start3A_521 = tpu.memref_slice %arg8[%sub3A_519, %dma_start3A_520] : memref<250x80xi32, #tpu.memory_space<vmem>> -> memref<1x80xi32, #tpu.memory_space<vmem>>
        %dma_start3A_522 = tpu.memref_squeeze %dma_start3A_521 : memref<1x80xi32, #tpu.memory_space<vmem>> -> memref<80xi32, #tpu.memory_space<vmem>>
        %dma_start3A_523 = arith.constant 0 : i32
        %dma_start3A_524 = arith.constant 0 : i32
        %dma_start3A_525 = tpu.memref_slice %arg2[%dma_start3A_523, %dma_start3A_524] : memref<20000x64xf32, #tpu.memory_space<hbm>> -> memref<20000x64xf32, #tpu.memory_space<hbm>>
        tpu.enqueue_indirect_dma source(%dma_start3A_525 : memref<20000x64xf32, #tpu.memory_space<hbm>>) target(%arg13 : memref<80x64xf32, #tpu.memory_space<vmem>>) offsets(%dma_start3A_522 : memref<80xi32, #tpu.memory_space<vmem>>) semaphore(%arg17 : memref<!tpu.dma_semaphore, #tpu.memory_space<semaphore_mem>>)
      } else {
      }
      %add3A_359 = arith.constant 1 : i32
      %add3A_360 = arith.addi %mul3A_335, %add3A_359 : i32
      %dma_wait3A_361 = arith.constant 0 : i32
      %dma_wait3A_362 = tpu.memref_slice %arg8[%add3A_360, %dma_wait3A_361] : memref<250x80xi32, #tpu.memory_space<vmem>> -> memref<1x80xi32, #tpu.memory_space<vmem>>
      %dma_wait3A_363 = tpu.memref_squeeze %dma_wait3A_362 : memref<1x80xi32, #tpu.memory_space<vmem>> -> memref<80xi32, #tpu.memory_space<vmem>>
      %dma_wait3A_364 = arith.constant 0 : i32
      %dma_wait3A_365 = arith.constant 0 : i32
      %dma_wait3A_366 = tpu.memref_slice %arg2[%dma_wait3A_364, %dma_wait3A_365] : memref<20000x64xf32, #tpu.memory_space<hbm>> -> memref<20000x64xf32, #tpu.memory_space<hbm>>
      tpu.wait_indirect_dma semaphore(%arg15 : memref<!tpu.dma_semaphore, #tpu.memory_space<semaphore_mem>>) src(%dma_wait3A_366 : memref<20000x64xf32, #tpu.memory_space<hbm>>) dst(%arg11 : memref<80x64xf32, #tpu.memory_space<vmem>>)
      %dma_start3A_367 = arith.constant 0 : i32
      %dma_start3A_368 = tpu.memref_slice %arg9[%add3A_360, %dma_start3A_367] : memref<250x80xi32, #tpu.memory_space<vmem>> -> memref<1x80xi32, #tpu.memory_space<vmem>>
      %dma_start3A_369 = tpu.memref_squeeze %dma_start3A_368 : memref<1x80xi32, #tpu.memory_space<vmem>> -> memref<80xi32, #tpu.memory_space<vmem>>
      %dma_start3A_370 = arith.constant 0 : i32
      %dma_start3A_371 = arith.constant 0 : i32
      %dma_start3A_372 = tpu.memref_slice %arg6[%dma_start3A_370, %dma_start3A_371] : memref<10112x64xf32, #tpu.memory_space<vmem_shared>> -> memref<10112x64xf32, #tpu.memory_space<vmem_shared>>
      tpu.enqueue_indirect_dma source(%arg11 : memref<80x64xf32, #tpu.memory_space<vmem>>) target(%dma_start3A_372 : memref<10112x64xf32, #tpu.memory_space<vmem_shared>>) offsets(%dma_start3A_369 : memref<80xi32, #tpu.memory_space<vmem>>) semaphore(%arg15 : memref<!tpu.dma_semaphore, #tpu.memory_space<semaphore_mem>>) {add = true}
      %sub3A_373 = arith.constant 1 : i32
      %sub3A_374 = arith.subi %add3A_360, %sub3A_373 : i32
      %dma_wait3A_375 = arith.constant 0 : i32
      %dma_wait3A_376 = tpu.memref_slice %arg9[%sub3A_374, %dma_wait3A_375] : memref<250x80xi32, #tpu.memory_space<vmem>> -> memref<1x80xi32, #tpu.memory_space<vmem>>
      %dma_wait3A_377 = tpu.memref_squeeze %dma_wait3A_376 : memref<1x80xi32, #tpu.memory_space<vmem>> -> memref<80xi32, #tpu.memory_space<vmem>>
      %dma_wait3A_378 = arith.constant 0 : i32
      %dma_wait3A_379 = arith.constant 0 : i32
      %dma_wait3A_380 = tpu.memref_slice %arg6[%dma_wait3A_378, %dma_wait3A_379] : memref<10112x64xf32, #tpu.memory_space<vmem_shared>> -> memref<10112x64xf32, #tpu.memory_space<vmem_shared>>
      tpu.wait_indirect_dma semaphore(%arg14 : memref<!tpu.dma_semaphore, #tpu.memory_space<semaphore_mem>>) src(%arg10 : memref<80x64xf32, #tpu.memory_space<vmem>>) dst(%dma_wait3A_380 : memref<10112x64xf32, #tpu.memory_space<vmem_shared>>)
      %add3A_381 = arith.constant 4 : i32
      %add3A_382 = arith.addi %add3A_360, %add3A_381 : i32
      %sub3A_383 = arith.constant 1 : i32
      %sub3A_384 = arith.subi %add3A_382, %sub3A_383 : i32
      %lt3A_385 = arith.constant 250 : i32
      %lt3A_386 = arith.cmpi slt, %sub3A_384, %lt3A_385 : i32
      %convert_element_type3A_387 = arith.extui %lt3A_386 : i1 to i32
      %cond3A_388 = arith.constant 0 : i32
      %cond3A_389 = arith.cmpi ne, %convert_element_type3A_387, %cond3A_388 : i32
      scf.if %cond3A_389 {
        %add3A_452 = arith.constant 4 : i32
        %add3A_453 = arith.addi %add3A_360, %add3A_452 : i32
        %sub3A_454 = arith.constant 1 : i32
        %sub3A_455 = arith.subi %add3A_453, %sub3A_454 : i32
        %get3A_456 = arith.index_cast %sub3A_455 : i32 to index
        %get3A_457 = arith.constant 0 : index
        %get3A_458 = tpu.vector_load %arg8[%get3A_456, %get3A_457] {strides = array<i32>} : memref<250x80xi32, #tpu.memory_space<vmem>>, vector<1x16xi32>,
        %get3A_459 = vector.shape_cast %get3A_458 : vector<1x16xi32> to vector<16xi32>
        %add3A_460 = arith.addi %get3A_459, %get3A_459 : vector<16xi32>
        %add3A_461 = vector.broadcast %arg0 : i32 to vector<16xi32>
        %add3A_462 = arith.addi %add3A_460, %add3A_461 : vector<16xi32>
        %swap3A_463 = arith.index_cast %sub3A_455 : i32 to index
        %swap3A_464 = arith.constant 0 : index
        %swap3A_465 = tpu.vector_load %arg8[%swap3A_463, %swap3A_464] {strides = array<i32>} : memref<250x80xi32, #tpu.memory_space<vmem>>, vector<1x16xi32>,
        %swap3A_466 = vector.shape_cast %swap3A_465 : vector<1x16xi32> to vector<16xi32>
        %swap3A_467 = vector.shape_cast %add3A_462 : vector<16xi32> to vector<1x16xi32>
        tpu.vector_store %arg8[%swap3A_463, %swap3A_464], %swap3A_467 {strides = array<i32>} : memref<250x80xi32, #tpu.memory_space<vmem>>, vector<1x16xi32>,
        %get3A_468 = arith.index_cast %sub3A_455 : i32 to index
        %get3A_469 = arith.constant 16 : index
        %get3A_470 = tpu.vector_load %arg8[%get3A_468, %get3A_469] {strides = array<i32>} : memref<250x80xi32, #tpu.memory_space<vmem>>, vector<1x16xi32>,
        %get3A_471 = vector.shape_cast %get3A_470 : vector<1x16xi32> to vector<16xi32>
        %add3A_472 = arith.addi %get3A_471, %get3A_471 : vector<16xi32>
        %add3A_473 = vector.broadcast %arg0 : i32 to vector<16xi32>
        %add3A_474 = arith.addi %add3A_472, %add3A_473 : vector<16xi32>
        %swap3A_475 = arith.index_cast %sub3A_455 : i32 to index
        %swap3A_476 = arith.constant 16 : index
        %swap3A_477 = tpu.vector_load %arg8[%swap3A_475, %swap3A_476] {strides = array<i32>} : memref<250x80xi32, #tpu.memory_space<vmem>>, vector<1x16xi32>,
        %swap3A_478 = vector.shape_cast %swap3A_477 : vector<1x16xi32> to vector<16xi32>
        %swap3A_479 = vector.shape_cast %add3A_474 : vector<16xi32> to vector<1x16xi32>
        tpu.vector_store %arg8[%swap3A_475, %swap3A_476], %swap3A_479 {strides = array<i32>} : memref<250x80xi32, #tpu.memory_space<vmem>>, vector<1x16xi32>,
        %get3A_480 = arith.index_cast %sub3A_455 : i32 to index
        %get3A_481 = arith.constant 32 : index
        %get3A_482 = tpu.vector_load %arg8[%get3A_480, %get3A_481] {strides = array<i32>} : memref<250x80xi32, #tpu.memory_space<vmem>>, vector<1x16xi32>,
        %get3A_483 = vector.shape_cast %get3A_482 : vector<1x16xi32> to vector<16xi32>
        %add3A_484 = arith.addi %get3A_483, %get3A_483 : vector<16xi32>
        %add3A_485 = vector.broadcast %arg0 : i32 to vector<16xi32>
        %add3A_486 = arith.addi %add3A_484, %add3A_485 : vector<16xi32>
        %swap3A_487 = arith.index_cast %sub3A_455 : i32 to index
        %swap3A_488 = arith.constant 32 : index
        %swap3A_489 = tpu.vector_load %arg8[%swap3A_487, %swap3A_488] {strides = array<i32>} : memref<250x80xi32, #tpu.memory_space<vmem>>, vector<1x16xi32>,
        %swap3A_490 = vector.shape_cast %swap3A_489 : vector<1x16xi32> to vector<16xi32>
        %swap3A_491 = vector.shape_cast %add3A_486 : vector<16xi32> to vector<1x16xi32>
        tpu.vector_store %arg8[%swap3A_487, %swap3A_488], %swap3A_491 {strides = array<i32>} : memref<250x80xi32, #tpu.memory_space<vmem>>, vector<1x16xi32>,
        %get3A_492 = arith.index_cast %sub3A_455 : i32 to index
        %get3A_493 = arith.constant 48 : index
        %get3A_494 = tpu.vector_load %arg8[%get3A_492, %get3A_493] {strides = array<i32>} : memref<250x80xi32, #tpu.memory_space<vmem>>, vector<1x16xi32>,
        %get3A_495 = vector.shape_cast %get3A_494 : vector<1x16xi32> to vector<16xi32>
        %add3A_496 = arith.addi %get3A_495, %get3A_495 : vector<16xi32>
        %add3A_497 = vector.broadcast %arg0 : i32 to vector<16xi32>
        %add3A_498 = arith.addi %add3A_496, %add3A_497 : vector<16xi32>
        %swap3A_499 = arith.index_cast %sub3A_455 : i32 to index
        %swap3A_500 = arith.constant 48 : index
        %swap3A_501 = tpu.vector_load %arg8[%swap3A_499, %swap3A_500] {strides = array<i32>} : memref<250x80xi32, #tpu.memory_space<vmem>>, vector<1x16xi32>,
        %swap3A_502 = vector.shape_cast %swap3A_501 : vector<1x16xi32> to vector<16xi32>
        %swap3A_503 = vector.shape_cast %add3A_498 : vector<16xi32> to vector<1x16xi32>
        tpu.vector_store %arg8[%swap3A_499, %swap3A_500], %swap3A_503 {strides = array<i32>} : memref<250x80xi32, #tpu.memory_space<vmem>>, vector<1x16xi32>,
        %get3A_504 = arith.index_cast %sub3A_455 : i32 to index
        %get3A_505 = arith.constant 64 : index
        %get3A_506 = tpu.vector_load %arg8[%get3A_504, %get3A_505] {strides = array<i32>} : memref<250x80xi32, #tpu.memory_space<vmem>>, vector<1x16xi32>,
        %get3A_507 = vector.shape_cast %get3A_506 : vector<1x16xi32> to vector<16xi32>
        %add3A_508 = arith.addi %get3A_507, %get3A_507 : vector<16xi32>
        %add3A_509 = vector.broadcast %arg0 : i32 to vector<16xi32>
        %add3A_510 = arith.addi %add3A_508, %add3A_509 : vector<16xi32>
        %swap3A_511 = arith.index_cast %sub3A_455 : i32 to index
        %swap3A_512 = arith.constant 64 : index
        %swap3A_513 = tpu.vector_load %arg8[%swap3A_511, %swap3A_512] {strides = array<i32>} : memref<250x80xi32, #tpu.memory_space<vmem>>, vector<1x16xi32>,
        %swap3A_514 = vector.shape_cast %swap3A_513 : vector<1x16xi32> to vector<16xi32>
        %swap3A_515 = vector.shape_cast %add3A_510 : vector<16xi32> to vector<1x16xi32>
        tpu.vector_store %arg8[%swap3A_511, %swap3A_512], %swap3A_515 {strides = array<i32>} : memref<250x80xi32, #tpu.memory_space<vmem>>, vector<1x16xi32>,
        %add3A_516 = arith.constant 4 : i32
        %add3A_517 = arith.addi %add3A_360, %add3A_516 : i32
        %sub3A_518 = arith.constant 1 : i32
        %sub3A_519 = arith.subi %add3A_517, %sub3A_518 : i32
        %dma_start3A_520 = arith.constant 0 : i32
        %dma_start3A_521 = tpu.memref_slice %arg8[%sub3A_519, %dma_start3A_520] : memref<250x80xi32, #tpu.memory_space<vmem>> -> memref<1x80xi32, #tpu.memory_space<vmem>>
        %dma_start3A_522 = tpu.memref_squeeze %dma_start3A_521 : memref<1x80xi32, #tpu.memory_space<vmem>> -> memref<80xi32, #tpu.memory_space<vmem>>
        %dma_start3A_523 = arith.constant 0 : i32
        %dma_start3A_524 = arith.constant 0 : i32
        %dma_start3A_525 = tpu.memref_slice %arg2[%dma_start3A_523, %dma_start3A_524] : memref<20000x64xf32, #tpu.memory_space<hbm>> -> memref<20000x64xf32, #tpu.memory_space<hbm>>
        tpu.enqueue_indirect_dma source(%dma_start3A_525 : memref<20000x64xf32, #tpu.memory_space<hbm>>) target(%arg10 : memref<80x64xf32, #tpu.memory_space<vmem>>) offsets(%dma_start3A_522 : memref<80xi32, #tpu.memory_space<vmem>>) semaphore(%arg14 : memref<!tpu.dma_semaphore, #tpu.memory_space<semaphore_mem>>)
      } else {
      }
      %add3A_390 = arith.constant 2 : i32
      %add3A_391 = arith.addi %mul3A_335, %add3A_390 : i32
      %dma_wait3A_392 = arith.constant 0 : i32
      %dma_wait3A_393 = tpu.memref_slice %arg8[%add3A_391, %dma_wait3A_392] : memref<250x80xi32, #tpu.memory_space<vmem>> -> memref<1x80xi32, #tpu.memory_space<vmem>>
      %dma_wait3A_394 = tpu.memref_squeeze %dma_wait3A_393 : memref<1x80xi32, #tpu.memory_space<vmem>> -> memref<80xi32, #tpu.memory_space<vmem>>
      %dma_wait3A_395 = arith.constant 0 : i32
      %dma_wait3A_396 = arith.constant 0 : i32
      %dma_wait3A_397 = tpu.memref_slice %arg2[%dma_wait3A_395, %dma_wait3A_396] : memref<20000x64xf32, #tpu.memory_space<hbm>> -> memref<20000x64xf32, #tpu.memory_space<hbm>>
      tpu.wait_indirect_dma semaphore(%arg16 : memref<!tpu.dma_semaphore, #tpu.memory_space<semaphore_mem>>) src(%dma_wait3A_397 : memref<20000x64xf32, #tpu.memory_space<hbm>>) dst(%arg12 : memref<80x64xf32, #tpu.memory_space<vmem>>)
      %dma_start3A_398 = arith.constant 0 : i32
      %dma_start3A_399 = tpu.memref_slice %arg9[%add3A_391, %dma_start3A_398] : memref<250x80xi32, #tpu.memory_space<vmem>> -> memref<1x80xi32, #tpu.memory_space<vmem>>
      %dma_start3A_400 = tpu.memref_squeeze %dma_start3A_399 : memref<1x80xi32, #tpu.memory_space<vmem>> -> memref<80xi32, #tpu.memory_space<vmem>>
      %dma_start3A_401 = arith.constant 0 : i32
      %dma_start3A_402 = arith.constant 0 : i32
      %dma_start3A_403 = tpu.memref_slice %arg6[%dma_start3A_401, %dma_start3A_402] : memref<10112x64xf32, #tpu.memory_space<vmem_shared>> -> memref<10112x64xf32, #tpu.memory_space<vmem_shared>>
      tpu.enqueue_indirect_dma source(%arg12 : memref<80x64xf32, #tpu.memory_space<vmem>>) target(%dma_start3A_403 : memref<10112x64xf32, #tpu.memory_space<vmem_shared>>) offsets(%dma_start3A_400 : memref<80xi32, #tpu.memory_space<vmem>>) semaphore(%arg16 : memref<!tpu.dma_semaphore, #tpu.memory_space<semaphore_mem>>) {add = true}
      %sub3A_404 = arith.constant 1 : i32
      %sub3A_405 = arith.subi %add3A_391, %sub3A_404 : i32
      %dma_wait3A_406 = arith.constant 0 : i32
      %dma_wait3A_407 = tpu.memref_slice %arg9[%sub3A_405, %dma_wait3A_406] : memref<250x80xi32, #tpu.memory_space<vmem>> -> memref<1x80xi32, #tpu.memory_space<vmem>>
      %dma_wait3A_408 = tpu.memref_squeeze %dma_wait3A_407 : memref<1x80xi32, #tpu.memory_space<vmem>> -> memref<80xi32, #tpu.memory_space<vmem>>
      %dma_wait3A_409 = arith.constant 0 : i32
      %dma_wait3A_410 = arith.constant 0 : i32
      %dma_wait3A_411 = tpu.memref_slice %arg6[%dma_wait3A_409, %dma_wait3A_410] : memref<10112x64xf32, #tpu.memory_space<vmem_shared>> -> memref<10112x64xf32, #tpu.memory_space<vmem_shared>>
      tpu.wait_indirect_dma semaphore(%arg15 : memref<!tpu.dma_semaphore, #tpu.memory_space<semaphore_mem>>) src(%arg11 : memref<80x64xf32, #tpu.memory_space<vmem>>) dst(%dma_wait3A_411 : memref<10112x64xf32, #tpu.memory_space<vmem_shared>>)
      %add3A_412 = arith.constant 4 : i32
      %add3A_413 = arith.addi %add3A_391, %add3A_412 : i32
      %sub3A_414 = arith.constant 1 : i32
      %sub3A_415 = arith.subi %add3A_413, %sub3A_414 : i32
      %lt3A_416 = arith.constant 250 : i32
      %lt3A_417 = arith.cmpi slt, %sub3A_415, %lt3A_416 : i32
      %convert_element_type3A_418 = arith.extui %lt3A_417 : i1 to i32
      %cond3A_419 = arith.constant 0 : i32
      %cond3A_420 = arith.cmpi ne, %convert_element_type3A_418, %cond3A_419 : i32
      scf.if %cond3A_420 {
        %add3A_452 = arith.constant 4 : i32
        %add3A_453 = arith.addi %add3A_391, %add3A_452 : i32
        %sub3A_454 = arith.constant 1 : i32
        %sub3A_455 = arith.subi %add3A_453, %sub3A_454 : i32
        %get3A_456 = arith.index_cast %sub3A_455 : i32 to index
        %get3A_457 = arith.constant 0 : index
        %get3A_458 = tpu.vector_load %arg8[%get3A_456, %get3A_457] {strides = array<i32>} : memref<250x80xi32, #tpu.memory_space<vmem>>, vector<1x16xi32>,
        %get3A_459 = vector.shape_cast %get3A_458 : vector<1x16xi32> to vector<16xi32>
        %add3A_460 = arith.addi %get3A_459, %get3A_459 : vector<16xi32>
        %add3A_461 = vector.broadcast %arg0 : i32 to vector<16xi32>
        %add3A_462 = arith.addi %add3A_460, %add3A_461 : vector<16xi32>
        %swap3A_463 = arith.index_cast %sub3A_455 : i32 to index
        %swap3A_464 = arith.constant 0 : index
        %swap3A_465 = tpu.vector_load %arg8[%swap3A_463, %swap3A_464] {strides = array<i32>} : memref<250x80xi32, #tpu.memory_space<vmem>>, vector<1x16xi32>,
        %swap3A_466 = vector.shape_cast %swap3A_465 : vector<1x16xi32> to vector<16xi32>
        %swap3A_467 = vector.shape_cast %add3A_462 : vector<16xi32> to vector<1x16xi32>
        tpu.vector_store %arg8[%swap3A_463, %swap3A_464], %swap3A_467 {strides = array<i32>} : memref<250x80xi32, #tpu.memory_space<vmem>>, vector<1x16xi32>,
        %get3A_468 = arith.index_cast %sub3A_455 : i32 to index
        %get3A_469 = arith.constant 16 : index
        %get3A_470 = tpu.vector_load %arg8[%get3A_468, %get3A_469] {strides = array<i32>} : memref<250x80xi32, #tpu.memory_space<vmem>>, vector<1x16xi32>,
        %get3A_471 = vector.shape_cast %get3A_470 : vector<1x16xi32> to vector<16xi32>
        %add3A_472 = arith.addi %get3A_471, %get3A_471 : vector<16xi32>
        %add3A_473 = vector.broadcast %arg0 : i32 to vector<16xi32>
        %add3A_474 = arith.addi %add3A_472, %add3A_473 : vector<16xi32>
        %swap3A_475 = arith.index_cast %sub3A_455 : i32 to index
        %swap3A_476 = arith.constant 16 : index
        %swap3A_477 = tpu.vector_load %arg8[%swap3A_475, %swap3A_476] {strides = array<i32>} : memref<250x80xi32, #tpu.memory_space<vmem>>, vector<1x16xi32>,
        %swap3A_478 = vector.shape_cast %swap3A_477 : vector<1x16xi32> to vector<16xi32>
        %swap3A_479 = vector.shape_cast %add3A_474 : vector<16xi32> to vector<1x16xi32>
        tpu.vector_store %arg8[%swap3A_475, %swap3A_476], %swap3A_479 {strides = array<i32>} : memref<250x80xi32, #tpu.memory_space<vmem>>, vector<1x16xi32>,
        %get3A_480 = arith.index_cast %sub3A_455 : i32 to index
        %get3A_481 = arith.constant 32 : index
        %get3A_482 = tpu.vector_load %arg8[%get3A_480, %get3A_481] {strides = array<i32>} : memref<250x80xi32, #tpu.memory_space<vmem>>, vector<1x16xi32>,
        %get3A_483 = vector.shape_cast %get3A_482 : vector<1x16xi32> to vector<16xi32>
        %add3A_484 = arith.addi %get3A_483, %get3A_483 : vector<16xi32>
        %add3A_485 = vector.broadcast %arg0 : i32 to vector<16xi32>
        %add3A_486 = arith.addi %add3A_484, %add3A_485 : vector<16xi32>
        %swap3A_487 = arith.index_cast %sub3A_455 : i32 to index
        %swap3A_488 = arith.constant 32 : index
        %swap3A_489 = tpu.vector_load %arg8[%swap3A_487, %swap3A_488] {strides = array<i32>} : memref<250x80xi32, #tpu.memory_space<vmem>>, vector<1x16xi32>,
        %swap3A_490 = vector.shape_cast %swap3A_489 : vector<1x16xi32> to vector<16xi32>
        %swap3A_491 = vector.shape_cast %add3A_486 : vector<16xi32> to vector<1x16xi32>
        tpu.vector_store %arg8[%swap3A_487, %swap3A_488], %swap3A_491 {strides = array<i32>} : memref<250x80xi32, #tpu.memory_space<vmem>>, vector<1x16xi32>,
        %get3A_492 = arith.index_cast %sub3A_455 : i32 to index
        %get3A_493 = arith.constant 48 : index
        %get3A_494 = tpu.vector_load %arg8[%get3A_492, %get3A_493] {strides = array<i32>} : memref<250x80xi32, #tpu.memory_space<vmem>>, vector<1x16xi32>,
        %get3A_495 = vector.shape_cast %get3A_494 : vector<1x16xi32> to vector<16xi32>
        %add3A_496 = arith.addi %get3A_495, %get3A_495 : vector<16xi32>
        %add3A_497 = vector.broadcast %arg0 : i32 to vector<16xi32>
        %add3A_498 = arith.addi %add3A_496, %add3A_497 : vector<16xi32>
        %swap3A_499 = arith.index_cast %sub3A_455 : i32 to index
        %swap3A_500 = arith.constant 48 : index
        %swap3A_501 = tpu.vector_load %arg8[%swap3A_499, %swap3A_500] {strides = array<i32>} : memref<250x80xi32, #tpu.memory_space<vmem>>, vector<1x16xi32>,
        %swap3A_502 = vector.shape_cast %swap3A_501 : vector<1x16xi32> to vector<16xi32>
        %swap3A_503 = vector.shape_cast %add3A_498 : vector<16xi32> to vector<1x16xi32>
        tpu.vector_store %arg8[%swap3A_499, %swap3A_500], %swap3A_503 {strides = array<i32>} : memref<250x80xi32, #tpu.memory_space<vmem>>, vector<1x16xi32>,
        %get3A_504 = arith.index_cast %sub3A_455 : i32 to index
        %get3A_505 = arith.constant 64 : index
        %get3A_506 = tpu.vector_load %arg8[%get3A_504, %get3A_505] {strides = array<i32>} : memref<250x80xi32, #tpu.memory_space<vmem>>, vector<1x16xi32>,
        %get3A_507 = vector.shape_cast %get3A_506 : vector<1x16xi32> to vector<16xi32>
        %add3A_508 = arith.addi %get3A_507, %get3A_507 : vector<16xi32>
        %add3A_509 = vector.broadcast %arg0 : i32 to vector<16xi32>
        %add3A_510 = arith.addi %add3A_508, %add3A_509 : vector<16xi32>
        %swap3A_511 = arith.index_cast %sub3A_455 : i32 to index
        %swap3A_512 = arith.constant 64 : index
        %swap3A_513 = tpu.vector_load %arg8[%swap3A_511, %swap3A_512] {strides = array<i32>} : memref<250x80xi32, #tpu.memory_space<vmem>>, vector<1x16xi32>,
        %swap3A_514 = vector.shape_cast %swap3A_513 : vector<1x16xi32> to vector<16xi32>
        %swap3A_515 = vector.shape_cast %add3A_510 : vector<16xi32> to vector<1x16xi32>
        tpu.vector_store %arg8[%swap3A_511, %swap3A_512], %swap3A_515 {strides = array<i32>} : memref<250x80xi32, #tpu.memory_space<vmem>>, vector<1x16xi32>,
        %add3A_516 = arith.constant 4 : i32
        %add3A_517 = arith.addi %add3A_391, %add3A_516 : i32
        %sub3A_518 = arith.constant 1 : i32
        %sub3A_519 = arith.subi %add3A_517, %sub3A_518 : i32
        %dma_start3A_520 = arith.constant 0 : i32
        %dma_start3A_521 = tpu.memref_slice %arg8[%sub3A_519, %dma_start3A_520] : memref<250x80xi32, #tpu.memory_space<vmem>> -> memref<1x80xi32, #tpu.memory_space<vmem>>
        %dma_start3A_522 = tpu.memref_squeeze %dma_start3A_521 : memref<1x80xi32, #tpu.memory_space<vmem>> -> memref<80xi32, #tpu.memory_space<vmem>>
        %dma_start3A_523 = arith.constant 0 : i32
        %dma_start3A_524 = arith.constant 0 : i32
        %dma_start3A_525 = tpu.memref_slice %arg2[%dma_start3A_523, %dma_start3A_524] : memref<20000x64xf32, #tpu.memory_space<hbm>> -> memref<20000x64xf32, #tpu.memory_space<hbm>>
        tpu.enqueue_indirect_dma source(%dma_start3A_525 : memref<20000x64xf32, #tpu.memory_space<hbm>>) target(%arg11 : memref<80x64xf32, #tpu.memory_space<vmem>>) offsets(%dma_start3A_522 : memref<80xi32, #tpu.memory_space<vmem>>) semaphore(%arg15 : memref<!tpu.dma_semaphore, #tpu.memory_space<semaphore_mem>>)
      } else {
      }
      %add3A_421 = arith.constant 3 : i32
      %add3A_422 = arith.addi %mul3A_335, %add3A_421 : i32
      %dma_wait3A_423 = arith.constant 0 : i32
      %dma_wait3A_424 = tpu.memref_slice %arg8[%add3A_422, %dma_wait3A_423] : memref<250x80xi32, #tpu.memory_space<vmem>> -> memref<1x80xi32, #tpu.memory_space<vmem>>
      %dma_wait3A_425 = tpu.memref_squeeze %dma_wait3A_424 : memref<1x80xi32, #tpu.memory_space<vmem>> -> memref<80xi32, #tpu.memory_space<vmem>>
      %dma_wait3A_426 = arith.constant 0 : i32
      %dma_wait3A_427 = arith.constant 0 : i32
      %dma_wait3A_428 = tpu.memref_slice %arg2[%dma_wait3A_426, %dma_wait3A_427] : memref<20000x64xf32, #tpu.memory_space<hbm>> -> memref<20000x64xf32, #tpu.memory_space<hbm>>
      tpu.wait_indirect_dma semaphore(%arg17 : memref<!tpu.dma_semaphore, #tpu.memory_space<semaphore_mem>>) src(%dma_wait3A_428 : memref<20000x64xf32, #tpu.memory_space<hbm>>) dst(%arg13 : memref<80x64xf32, #tpu.memory_space<vmem>>)
      %dma_start3A_429 = arith.constant 0 : i32
      %dma_start3A_430 = tpu.memref_slice %arg9[%add3A_422, %dma_start3A_429] : memref<250x80xi32, #tpu.memory_space<vmem>> -> memref<1x80xi32, #tpu.memory_space<vmem>>
      %dma_start3A_431 = tpu.memref_squeeze %dma_start3A_430 : memref<1x80xi32, #tpu.memory_space<vmem>> -> memref<80xi32, #tpu.memory_space<vmem>>
      %dma_start3A_432 = arith.constant 0 : i32
      %dma_start3A_433 = arith.constant 0 : i32
      %dma_start3A_434 = tpu.memref_slice %arg6[%dma_start3A_432, %dma_start3A_433] : memref<10112x64xf32, #tpu.memory_space<vmem_shared>> -> memref<10112x64xf32, #tpu.memory_space<vmem_shared>>
      tpu.enqueue_indirect_dma source(%arg13 : memref<80x64xf32, #tpu.memory_space<vmem>>) target(%dma_start3A_434 : memref<10112x64xf32, #tpu.memory_space<vmem_shared>>) offsets(%dma_start3A_431 : memref<80xi32, #tpu.memory_space<vmem>>) semaphore(%arg17 : memref<!tpu.dma_semaphore, #tpu.memory_space<semaphore_mem>>) {add = true}
      %sub3A_435 = arith.constant 1 : i32
      %sub3A_436 = arith.subi %add3A_422, %sub3A_435 : i32
      %dma_wait3A_437 = arith.constant 0 : i32
      %dma_wait3A_438 = tpu.memref_slice %arg9[%sub3A_436, %dma_wait3A_437] : memref<250x80xi32, #tpu.memory_space<vmem>> -> memref<1x80xi32, #tpu.memory_space<vmem>>
      %dma_wait3A_439 = tpu.memref_squeeze %dma_wait3A_438 : memref<1x80xi32, #tpu.memory_space<vmem>> -> memref<80xi32, #tpu.memory_space<vmem>>
      %dma_wait3A_440 = arith.constant 0 : i32
      %dma_wait3A_441 = arith.constant 0 : i32
      %dma_wait3A_442 = tpu.memref_slice %arg6[%dma_wait3A_440, %dma_wait3A_441] : memref<10112x64xf32, #tpu.memory_space<vmem_shared>> -> memref<10112x64xf32, #tpu.memory_space<vmem_shared>>
      tpu.wait_indirect_dma semaphore(%arg16 : memref<!tpu.dma_semaphore, #tpu.memory_space<semaphore_mem>>) src(%arg12 : memref<80x64xf32, #tpu.memory_space<vmem>>) dst(%dma_wait3A_442 : memref<10112x64xf32, #tpu.memory_space<vmem_shared>>)
      %add3A_443 = arith.constant 4 : i32
      %add3A_444 = arith.addi %add3A_422, %add3A_443 : i32
      %sub3A_445 = arith.constant 1 : i32
      %sub3A_446 = arith.subi %add3A_444, %sub3A_445 : i32
      %lt3A_447 = arith.constant 250 : i32
      %lt3A_448 = arith.cmpi slt, %sub3A_446, %lt3A_447 : i32
      %convert_element_type3A_449 = arith.extui %lt3A_448 : i1 to i32
      %cond3A_450 = arith.constant 0 : i32
      %cond3A_451 = arith.cmpi ne, %convert_element_type3A_449, %cond3A_450 : i32
      scf.if %cond3A_451 {
        %add3A_452 = arith.constant 4 : i32
        %add3A_453 = arith.addi %add3A_422, %add3A_452 : i32
        %sub3A_454 = arith.constant 1 : i32
        %sub3A_455 = arith.subi %add3A_453, %sub3A_454 : i32
        %get3A_456 = arith.index_cast %sub3A_455 : i32 to index
        %get3A_457 = arith.constant 0 : index
        %get3A_458 = tpu.vector_load %arg8[%get3A_456, %get3A_457] {strides = array<i32>} : memref<250x80xi32, #tpu.memory_space<vmem>>, vector<1x16xi32>,
        %get3A_459 = vector.shape_cast %get3A_458 : vector<1x16xi32> to vector<16xi32>
        %add3A_460 = arith.addi %get3A_459, %get3A_459 : vector<16xi32>
        %add3A_461 = vector.broadcast %arg0 : i32 to vector<16xi32>
        %add3A_462 = arith.addi %add3A_460, %add3A_461 : vector<16xi32>
        %swap3A_463 = arith.index_cast %sub3A_455 : i32 to index
        %swap3A_464 = arith.constant 0 : index
        %swap3A_465 = tpu.vector_load %arg8[%swap3A_463, %swap3A_464] {strides = array<i32>} : memref<250x80xi32, #tpu.memory_space<vmem>>, vector<1x16xi32>,
        %swap3A_466 = vector.shape_cast %swap3A_465 : vector<1x16xi32> to vector<16xi32>
        %swap3A_467 = vector.shape_cast %add3A_462 : vector<16xi32> to vector<1x16xi32>
        tpu.vector_store %arg8[%swap3A_463, %swap3A_464], %swap3A_467 {strides = array<i32>} : memref<250x80xi32, #tpu.memory_space<vmem>>, vector<1x16xi32>,
        %get3A_468 = arith.index_cast %sub3A_455 : i32 to index
        %get3A_469 = arith.constant 16 : index
        %get3A_470 = tpu.vector_load %arg8[%get3A_468, %get3A_469] {strides = array<i32>} : memref<250x80xi32, #tpu.memory_space<vmem>>, vector<1x16xi32>,
        %get3A_471 = vector.shape_cast %get3A_470 : vector<1x16xi32> to vector<16xi32>
        %add3A_472 = arith.addi %get3A_471, %get3A_471 : vector<16xi32>
        %add3A_473 = vector.broadcast %arg0 : i32 to vector<16xi32>
        %add3A_474 = arith.addi %add3A_472, %add3A_473 : vector<16xi32>
        %swap3A_475 = arith.index_cast %sub3A_455 : i32 to index
        %swap3A_476 = arith.constant 16 : index
        %swap3A_477 = tpu.vector_load %arg8[%swap3A_475, %swap3A_476] {strides = array<i32>} : memref<250x80xi32, #tpu.memory_space<vmem>>, vector<1x16xi32>,
        %swap3A_478 = vector.shape_cast %swap3A_477 : vector<1x16xi32> to vector<16xi32>
        %swap3A_479 = vector.shape_cast %add3A_474 : vector<16xi32> to vector<1x16xi32>
        tpu.vector_store %arg8[%swap3A_475, %swap3A_476], %swap3A_479 {strides = array<i32>} : memref<250x80xi32, #tpu.memory_space<vmem>>, vector<1x16xi32>,
        %get3A_480 = arith.index_cast %sub3A_455 : i32 to index
        %get3A_481 = arith.constant 32 : index
        %get3A_482 = tpu.vector_load %arg8[%get3A_480, %get3A_481] {strides = array<i32>} : memref<250x80xi32, #tpu.memory_space<vmem>>, vector<1x16xi32>,
        %get3A_483 = vector.shape_cast %get3A_482 : vector<1x16xi32> to vector<16xi32>
        %add3A_484 = arith.addi %get3A_483, %get3A_483 : vector<16xi32>
        %add3A_485 = vector.broadcast %arg0 : i32 to vector<16xi32>
        %add3A_486 = arith.addi %add3A_484, %add3A_485 : vector<16xi32>
        %swap3A_487 = arith.index_cast %sub3A_455 : i32 to index
        %swap3A_488 = arith.constant 32 : index
        %swap3A_489 = tpu.vector_load %arg8[%swap3A_487, %swap3A_488] {strides = array<i32>} : memref<250x80xi32, #tpu.memory_space<vmem>>, vector<1x16xi32>,
        %swap3A_490 = vector.shape_cast %swap3A_489 : vector<1x16xi32> to vector<16xi32>
        %swap3A_491 = vector.shape_cast %add3A_486 : vector<16xi32> to vector<1x16xi32>
        tpu.vector_store %arg8[%swap3A_487, %swap3A_488], %swap3A_491 {strides = array<i32>} : memref<250x80xi32, #tpu.memory_space<vmem>>, vector<1x16xi32>,
        %get3A_492 = arith.index_cast %sub3A_455 : i32 to index
        %get3A_493 = arith.constant 48 : index
        %get3A_494 = tpu.vector_load %arg8[%get3A_492, %get3A_493] {strides = array<i32>} : memref<250x80xi32, #tpu.memory_space<vmem>>, vector<1x16xi32>,
        %get3A_495 = vector.shape_cast %get3A_494 : vector<1x16xi32> to vector<16xi32>
        %add3A_496 = arith.addi %get3A_495, %get3A_495 : vector<16xi32>
        %add3A_497 = vector.broadcast %arg0 : i32 to vector<16xi32>
        %add3A_498 = arith.addi %add3A_496, %add3A_497 : vector<16xi32>
        %swap3A_499 = arith.index_cast %sub3A_455 : i32 to index
        %swap3A_500 = arith.constant 48 : index
        %swap3A_501 = tpu.vector_load %arg8[%swap3A_499, %swap3A_500] {strides = array<i32>} : memref<250x80xi32, #tpu.memory_space<vmem>>, vector<1x16xi32>,
        %swap3A_502 = vector.shape_cast %swap3A_501 : vector<1x16xi32> to vector<16xi32>
        %swap3A_503 = vector.shape_cast %add3A_498 : vector<16xi32> to vector<1x16xi32>
        tpu.vector_store %arg8[%swap3A_499, %swap3A_500], %swap3A_503 {strides = array<i32>} : memref<250x80xi32, #tpu.memory_space<vmem>>, vector<1x16xi32>,
        %get3A_504 = arith.index_cast %sub3A_455 : i32 to index
        %get3A_505 = arith.constant 64 : index
        %get3A_506 = tpu.vector_load %arg8[%get3A_504, %get3A_505] {strides = array<i32>} : memref<250x80xi32, #tpu.memory_space<vmem>>, vector<1x16xi32>,
        %get3A_507 = vector.shape_cast %get3A_506 : vector<1x16xi32> to vector<16xi32>
        %add3A_508 = arith.addi %get3A_507, %get3A_507 : vector<16xi32>
        %add3A_509 = vector.broadcast %arg0 : i32 to vector<16xi32>
        %add3A_510 = arith.addi %add3A_508, %add3A_509 : vector<16xi32>
        %swap3A_511 = arith.index_cast %sub3A_455 : i32 to index
        %swap3A_512 = arith.constant 64 : index
        %swap3A_513 = tpu.vector_load %arg8[%swap3A_511, %swap3A_512] {strides = array<i32>} : memref<250x80xi32, #tpu.memory_space<vmem>>, vector<1x16xi32>,
        %swap3A_514 = vector.shape_cast %swap3A_513 : vector<1x16xi32> to vector<16xi32>
        %swap3A_515 = vector.shape_cast %add3A_510 : vector<16xi32> to vector<1x16xi32>
        tpu.vector_store %arg8[%swap3A_511, %swap3A_512], %swap3A_515 {strides = array<i32>} : memref<250x80xi32, #tpu.memory_space<vmem>>, vector<1x16xi32>,
        %add3A_516 = arith.constant 4 : i32
        %add3A_517 = arith.addi %add3A_422, %add3A_516 : i32
        %sub3A_518 = arith.constant 1 : i32
        %sub3A_519 = arith.subi %add3A_517, %sub3A_518 : i32
        %dma_start3A_520 = arith.constant 0 : i32
        %dma_start3A_521 = tpu.memref_slice %arg8[%sub3A_519, %dma_start3A_520] : memref<250x80xi32, #tpu.memory_space<vmem>> -> memref<1x80xi32, #tpu.memory_space<vmem>>
        %dma_start3A_522 = tpu.memref_squeeze %dma_start3A_521 : memref<1x80xi32, #tpu.memory_space<vmem>> -> memref<80xi32, #tpu.memory_space<vmem>>
        %dma_start3A_523 = arith.constant 0 : i32
        %dma_start3A_524 = arith.constant 0 : i32
        %dma_start3A_525 = tpu.memref_slice %arg2[%dma_start3A_523, %dma_start3A_524] : memref<20000x64xf32, #tpu.memory_space<hbm>> -> memref<20000x64xf32, #tpu.memory_space<hbm>>
        tpu.enqueue_indirect_dma source(%dma_start3A_525 : memref<20000x64xf32, #tpu.memory_space<hbm>>) target(%arg12 : memref<80x64xf32, #tpu.memory_space<vmem>>) offsets(%dma_start3A_522 : memref<80xi32, #tpu.memory_space<vmem>>) semaphore(%arg16 : memref<!tpu.dma_semaphore, #tpu.memory_space<semaphore_mem>>)
      } else {
      }
    }
    %scan3A_274 = arith.constant 62 : i32
    %dma_wait3A_275 = arith.constant 248 : i32
    %dma_wait3A_276 = arith.constant 0 : i32
    %dma_wait3A_277 = tpu.memref_slice %arg8[%dma_wait3A_275, %dma_wait3A_276] : memref<250x80xi32, #tpu.memory_space<vmem>> -> memref<1x80xi32, #tpu.memory_space<vmem>>
    %dma_wait3A_278 = tpu.memref_squeeze %dma_wait3A_277 : memref<1x80xi32, #tpu.memory_space<vmem>> -> memref<80xi32, #tpu.memory_space<vmem>>
    %dma_wait3A_279 = arith.constant 0 : i32
    %dma_wait3A_280 = arith.constant 0 : i32
    %dma_wait3A_281 = tpu.memref_slice %arg2[%dma_wait3A_279, %dma_wait3A_280] : memref<20000x64xf32, #tpu.memory_space<hbm>> -> memref<20000x64xf32, #tpu.memory_space<hbm>>
    tpu.wait_indirect_dma semaphore(%arg14 : memref<!tpu.dma_semaphore, #tpu.memory_space<semaphore_mem>>) src(%dma_wait3A_281 : memref<20000x64xf32, #tpu.memory_space<hbm>>) dst(%arg10 : memref<80x64xf32, #tpu.memory_space<vmem>>)
    %dma_start3A_282 = arith.constant 248 : i32
    %dma_start3A_283 = arith.constant 0 : i32
    %dma_start3A_284 = tpu.memref_slice %arg9[%dma_start3A_282, %dma_start3A_283] : memref<250x80xi32, #tpu.memory_space<vmem>> -> memref<1x80xi32, #tpu.memory_space<vmem>>
    %dma_start3A_285 = tpu.memref_squeeze %dma_start3A_284 : memref<1x80xi32, #tpu.memory_space<vmem>> -> memref<80xi32, #tpu.memory_space<vmem>>
    %dma_start3A_286 = arith.constant 0 : i32
    %dma_start3A_287 = arith.constant 0 : i32
    %dma_start3A_288 = tpu.memref_slice %arg6[%dma_start3A_286, %dma_start3A_287] : memref<10112x64xf32, #tpu.memory_space<vmem_shared>> -> memref<10112x64xf32, #tpu.memory_space<vmem_shared>>
    tpu.enqueue_indirect_dma source(%arg10 : memref<80x64xf32, #tpu.memory_space<vmem>>) target(%dma_start3A_288 : memref<10112x64xf32, #tpu.memory_space<vmem_shared>>) offsets(%dma_start3A_285 : memref<80xi32, #tpu.memory_space<vmem>>) semaphore(%arg14 : memref<!tpu.dma_semaphore, #tpu.memory_space<semaphore_mem>>) {add = true}
    %dma_wait3A_289 = arith.constant 247 : i32
    %dma_wait3A_290 = arith.constant 0 : i32
    %dma_wait3A_291 = tpu.memref_slice %arg9[%dma_wait3A_289, %dma_wait3A_290] : memref<250x80xi32, #tpu.memory_space<vmem>> -> memref<1x80xi32, #tpu.memory_space<vmem>>
    %dma_wait3A_292 = tpu.memref_squeeze %dma_wait3A_291 : memref<1x80xi32, #tpu.memory_space<vmem>> -> memref<80xi32, #tpu.memory_space<vmem>>
    %dma_wait3A_293 = arith.constant 0 : i32
    %dma_wait3A_294 = arith.constant 0 : i32
    %dma_wait3A_295 = tpu.memref_slice %arg6[%dma_wait3A_293, %dma_wait3A_294] : memref<10112x64xf32, #tpu.memory_space<vmem_shared>> -> memref<10112x64xf32, #tpu.memory_space<vmem_shared>>
    tpu.wait_indirect_dma semaphore(%arg17 : memref<!tpu.dma_semaphore, #tpu.memory_space<semaphore_mem>>) src(%arg13 : memref<80x64xf32, #tpu.memory_space<vmem>>) dst(%dma_wait3A_295 : memref<10112x64xf32, #tpu.memory_space<vmem_shared>>)
    %dma_wait3A_296 = arith.constant 249 : i32
    %dma_wait3A_297 = arith.constant 0 : i32
    %dma_wait3A_298 = tpu.memref_slice %arg8[%dma_wait3A_296, %dma_wait3A_297] : memref<250x80xi32, #tpu.memory_space<vmem>> -> memref<1x80xi32, #tpu.memory_space<vmem>>
    %dma_wait3A_299 = tpu.memref_squeeze %dma_wait3A_298 : memref<1x80xi32, #tpu.memory_space<vmem>> -> memref<80xi32, #tpu.memory_space<vmem>>
    %dma_wait3A_300 = arith.constant 0 : i32
    %dma_wait3A_301 = arith.constant 0 : i32
    %dma_wait3A_302 = tpu.memref_slice %arg2[%dma_wait3A_300, %dma_wait3A_301] : memref<20000x64xf32, #tpu.memory_space<hbm>> -> memref<20000x64xf32, #tpu.memory_space<hbm>>
    tpu.wait_indirect_dma semaphore(%arg15 : memref<!tpu.dma_semaphore, #tpu.memory_space<semaphore_mem>>) src(%dma_wait3A_302 : memref<20000x64xf32, #tpu.memory_space<hbm>>) dst(%arg11 : memref<80x64xf32, #tpu.memory_space<vmem>>)
    %dma_start3A_303 = arith.constant 249 : i32
    %dma_start3A_304 = arith.constant 0 : i32
    %dma_start3A_305 = tpu.memref_slice %arg9[%dma_start3A_303, %dma_start3A_304] : memref<250x80xi32, #tpu.memory_space<vmem>> -> memref<1x80xi32, #tpu.memory_space<vmem>>
    %dma_start3A_306 = tpu.memref_squeeze %dma_start3A_305 : memref<1x80xi32, #tpu.memory_space<vmem>> -> memref<80xi32, #tpu.memory_space<vmem>>
    %dma_start3A_307 = arith.constant 0 : i32
    %dma_start3A_308 = arith.constant 0 : i32
    %dma_start3A_309 = tpu.memref_slice %arg6[%dma_start3A_307, %dma_start3A_308] : memref<10112x64xf32, #tpu.memory_space<vmem_shared>> -> memref<10112x64xf32, #tpu.memory_space<vmem_shared>>
    tpu.enqueue_indirect_dma source(%arg11 : memref<80x64xf32, #tpu.memory_space<vmem>>) target(%dma_start3A_309 : memref<10112x64xf32, #tpu.memory_space<vmem_shared>>) offsets(%dma_start3A_306 : memref<80xi32, #tpu.memory_space<vmem>>) semaphore(%arg15 : memref<!tpu.dma_semaphore, #tpu.memory_space<semaphore_mem>>) {add = true}
    %dma_wait3A_310 = arith.constant 248 : i32
    %dma_wait3A_311 = arith.constant 0 : i32
    %dma_wait3A_312 = tpu.memref_slice %arg9[%dma_wait3A_310, %dma_wait3A_311] : memref<250x80xi32, #tpu.memory_space<vmem>> -> memref<1x80xi32, #tpu.memory_space<vmem>>
    %dma_wait3A_313 = tpu.memref_squeeze %dma_wait3A_312 : memref<1x80xi32, #tpu.memory_space<vmem>> -> memref<80xi32, #tpu.memory_space<vmem>>
    %dma_wait3A_314 = arith.constant 0 : i32
    %dma_wait3A_315 = arith.constant 0 : i32
    %dma_wait3A_316 = tpu.memref_slice %arg6[%dma_wait3A_314, %dma_wait3A_315] : memref<10112x64xf32, #tpu.memory_space<vmem_shared>> -> memref<10112x64xf32, #tpu.memory_space<vmem_shared>>
    tpu.wait_indirect_dma semaphore(%arg14 : memref<!tpu.dma_semaphore, #tpu.memory_space<semaphore_mem>>) src(%arg10 : memref<80x64xf32, #tpu.memory_space<vmem>>) dst(%dma_wait3A_316 : memref<10112x64xf32, #tpu.memory_space<vmem_shared>>)
    %dma_wait3A_317 = arith.constant 249 : i32
    %dma_wait3A_318 = arith.constant 0 : i32
    %dma_wait3A_319 = tpu.memref_slice %arg9[%dma_wait3A_317, %dma_wait3A_318] : memref<250x80xi32, #tpu.memory_space<vmem>> -> memref<1x80xi32, #tpu.memory_space<vmem>>
    %dma_wait3A_320 = tpu.memref_squeeze %dma_wait3A_319 : memref<1x80xi32, #tpu.memory_space<vmem>> -> memref<80xi32, #tpu.memory_space<vmem>>
    %dma_wait3A_321 = arith.constant 0 : i32
    %dma_wait3A_322 = arith.constant 0 : i32
    %dma_wait3A_323 = tpu.memref_slice %arg6[%dma_wait3A_321, %dma_wait3A_322] : memref<10112x64xf32, #tpu.memory_space<vmem_shared>> -> memref<10112x64xf32, #tpu.memory_space<vmem_shared>>
    tpu.wait_indirect_dma semaphore(%arg15 : memref<!tpu.dma_semaphore, #tpu.memory_space<semaphore_mem>>) src(%arg11 : memref<80x64xf32, #tpu.memory_space<vmem>>) dst(%dma_wait3A_323 : memref<10112x64xf32, #tpu.memory_space<vmem_shared>>)
    %barrier3A_324 = arith.constant 0 : index
    tpu.barrier barrier_id(%barrier3A_324)
    %add3A_325 = arith.constant 0 : i32
    %add3A_326 = arith.addi %multiple_of3A, %add3A_325 : i32
    "tpu.region"() ({
      %run_scoped3A = tpu.sem_alloc : memref<!tpu.dma_semaphore, #tpu.memory_space<semaphore_mem>>
      %dma_start3A_333 = arith.constant 0 : i32
      %dma_start3A_334 = arith.constant 0 : i32
      %dma_start3A_335 = tpu.memref_slice %arg7[%dma_start3A_333, %dma_start3A_334] : memref<320x64xf32, #tpu.memory_space<vmem>> -> memref<320x64xf32, #tpu.memory_space<vmem>>
      %dma_start3A_336 = arith.constant 0 : i32
      %dma_start3A_337 = tpu.memref_slice %arg6[%add3A_326, %dma_start3A_336] : memref<10112x64xf32, #tpu.memory_space<vmem_shared>> -> memref<320x64xf32, #tpu.memory_space<vmem_shared>>
      %dma_start3A_338 = arith.constant 0 : i32
      %dma_start3A_339 = arith.constant 0 : i32
      %dma_start3A_340 = tpu.memref_slice %arg7[%dma_start3A_338, %dma_start3A_339] : memref<320x64xf32, #tpu.memory_space<vmem>> -> memref<320x64xf32, #tpu.memory_space<vmem>>
      %dma_start3A_341 = arith.constant 0 : i32
      %dma_start3A_342 = tpu.memref_slice %arg6[%add3A_326, %dma_start3A_341] : memref<10112x64xf32, #tpu.memory_space<vmem_shared>> -> memref<320x64xf32, #tpu.memory_space<vmem_shared>>
      tpu.enqueue_dma source(%dma_start3A_342 : memref<320x64xf32, #tpu.memory_space<vmem_shared>>) target(%dma_start3A_340 : memref<320x64xf32, #tpu.memory_space<vmem>>) target_semaphore(%run_scoped3A : memref<!tpu.dma_semaphore, #tpu.memory_space<semaphore_mem>>)
      %dma_wait3A_343 = arith.constant 0 : i32
      %dma_wait3A_344 = arith.constant 0 : i32
      %dma_wait3A_345 = tpu.memref_slice %arg7[%dma_wait3A_343, %dma_wait3A_344] : memref<320x64xf32, #tpu.memory_space<vmem>> -> memref<320x64xf32, #tpu.memory_space<vmem>>
      %dma_wait3A_346 = arith.constant 0 : i32
      %dma_wait3A_347 = tpu.memref_slice %arg6[%add3A_326, %dma_wait3A_346] : memref<10112x64xf32, #tpu.memory_space<vmem_shared>> -> memref<320x64xf32, #tpu.memory_space<vmem_shared>>
      %dma_wait3A_348 = arith.constant 0 : i32
      %dma_wait3A_349 = arith.constant 0 : i32
      %dma_wait3A_350 = tpu.memref_slice %arg7[%dma_wait3A_348, %dma_wait3A_349] : memref<320x64xf32, #tpu.memory_space<vmem>> -> memref<320x64xf32, #tpu.memory_space<vmem>>
      %dma_wait3A_351 = arith.constant 0 : i32
      %dma_wait3A_352 = tpu.memref_slice %arg6[%add3A_326, %dma_wait3A_351] : memref<10112x64xf32, #tpu.memory_space<vmem_shared>> -> memref<320x64xf32, #tpu.memory_space<vmem_shared>>
      tpu.wait_dma2 semaphore(%run_scoped3A : memref<!tpu.dma_semaphore, #tpu.memory_space<semaphore_mem>>) src(%dma_wait3A_352 : memref<320x64xf32, #tpu.memory_space<vmem_shared>>) dst(%dma_wait3A_350 : memref<320x64xf32, #tpu.memory_space<vmem>>)
      tpu.yield
    }) : () -> ()
    %add3A_327 = arith.constant 0 : i32
    %add3A_328 = arith.addi %multiple_of3A, %add3A_327 : i32
    "tpu.region"() ({
      %run_scoped3A = tpu.sem_alloc : memref<!tpu.dma_semaphore, #tpu.memory_space<semaphore_mem>>
      %dma_start3A_333 = arith.constant 0 : i32
      %dma_start3A_334 = arith.constant 0 : i32
      %dma_start3A_335 = tpu.memref_slice %arg7[%dma_start3A_333, %dma_start3A_334] : memref<320x64xf32, #tpu.memory_space<vmem>> -> memref<320x64xf32, #tpu.memory_space<vmem>>
      %dma_start3A_336 = arith.constant 0 : i32
      %dma_start3A_337 = tpu.memref_slice %arg5[%arg0, %add3A_328, %dma_start3A_336] : memref<2x10112x64xf32, #tpu.memory_space<hbm>> -> memref<1x320x64xf32, #tpu.memory_space<hbm>>
      %dma_start3A_338 = tpu.memref_squeeze %dma_start3A_337 : memref<1x320x64xf32, #tpu.memory_space<hbm>> -> memref<320x64xf32, #tpu.memory_space<hbm>>
      %dma_start3A_339 = arith.constant 0 : i32
      %dma_start3A_340 = tpu.memref_slice %arg5[%arg0, %add3A_328, %dma_start3A_339] : memref<2x10112x64xf32, #tpu.memory_space<hbm>> -> memref<1x320x64xf32, #tpu.memory_space<hbm>>
      %dma_start3A_341 = tpu.memref_squeeze %dma_start3A_340 : memref<1x320x64xf32, #tpu.memory_space<hbm>> -> memref<320x64xf32, #tpu.memory_space<hbm>>
      %dma_start3A_342 = arith.constant 0 : i32
      %dma_start3A_343 = arith.constant 0 : i32
      %dma_start3A_344 = tpu.memref_slice %arg7[%dma_start3A_342, %dma_start3A_343] : memref<320x64xf32, #tpu.memory_space<vmem>> -> memref<320x64xf32, #tpu.memory_space<vmem>>
      tpu.enqueue_dma source(%dma_start3A_344 : memref<320x64xf32, #tpu.memory_space<vmem>>) target(%dma_start3A_341 : memref<320x64xf32, #tpu.memory_space<hbm>>) target_semaphore(%run_scoped3A : memref<!tpu.dma_semaphore, #tpu.memory_space<semaphore_mem>>)
      %dma_wait3A_345 = arith.constant 0 : i32
      %dma_wait3A_346 = arith.constant 0 : i32
      %dma_wait3A_347 = tpu.memref_slice %arg7[%dma_wait3A_345, %dma_wait3A_346] : memref<320x64xf32, #tpu.memory_space<vmem>> -> memref<320x64xf32, #tpu.memory_space<vmem>>
      %dma_wait3A_348 = arith.constant 0 : i32
      %dma_wait3A_349 = tpu.memref_slice %arg5[%arg0, %add3A_328, %dma_wait3A_348] : memref<2x10112x64xf32, #tpu.memory_space<hbm>> -> memref<1x320x64xf32, #tpu.memory_space<hbm>>
      %dma_wait3A_350 = tpu.memref_squeeze %dma_wait3A_349 : memref<1x320x64xf32, #tpu.memory_space<hbm>> -> memref<320x64xf32, #tpu.memory_space<hbm>>
      %dma_wait3A_351 = arith.constant 0 : i32
      %dma_wait3A_352 = tpu.memref_slice %arg5[%arg0, %add3A_328, %dma_wait3A_351] : memref<2x10112x64xf32, #tpu.memory_space<hbm>> -> memref<1x320x64xf32, #tpu.memory_space<hbm>>
      %dma_wait3A_353 = tpu.memref_squeeze %dma_wait3A_352 : memref<1x320x64xf32, #tpu.memory_space<hbm>> -> memref<320x64xf32, #tpu.memory_space<hbm>>
      %dma_wait3A_354 = arith.constant 0 : i32
      %dma_wait3A_355 = arith.constant 0 : i32
      %dma_wait3A_356 = tpu.memref_slice %arg7[%dma_wait3A_354, %dma_wait3A_355] : memref<320x64xf32, #tpu.memory_space<vmem>> -> memref<320x64xf32, #tpu.memory_space<vmem>>
      tpu.wait_dma2 semaphore(%run_scoped3A : memref<!tpu.dma_semaphore, #tpu.memory_space<semaphore_mem>>) src(%dma_wait3A_356 : memref<320x64xf32, #tpu.memory_space<vmem>>) dst(%dma_wait3A_353 : memref<320x64xf32, #tpu.memory_space<hbm>>)
      tpu.yield
    }) : () -> ()
    %add3A_329 = arith.constant 320 : i32
    %add3A_330 = arith.addi %multiple_of3A, %add3A_329 : i32
    "tpu.region"() ({
      %run_scoped3A = tpu.sem_alloc : memref<!tpu.dma_semaphore, #tpu.memory_space<semaphore_mem>>
      %dma_start3A_333 = arith.constant 0 : i32
      %dma_start3A_334 = arith.constant 0 : i32
      %dma_start3A_335 = tpu.memref_slice %arg7[%dma_start3A_333, %dma_start3A_334] : memref<320x64xf32, #tpu.memory_space<vmem>> -> memref<312x64xf32, #tpu.memory_space<vmem>>
      %dma_start3A_336 = arith.constant 0 : i32
      %dma_start3A_337 = tpu.memref_slice %arg6[%add3A_330, %dma_start3A_336] : memref<10112x64xf32, #tpu.memory_space<vmem_shared>> -> memref<312x64xf32, #tpu.memory_space<vmem_shared>>
      %dma_start3A_338 = arith.constant 0 : i32
      %dma_start3A_339 = arith.constant 0 : i32
      %dma_start3A_340 = tpu.memref_slice %arg7[%dma_start3A_338, %dma_start3A_339] : memref<320x64xf32, #tpu.memory_space<vmem>> -> memref<312x64xf32, #tpu.memory_space<vmem>>
      %dma_start3A_341 = arith.constant 0 : i32
      %dma_start3A_342 = tpu.memref_slice %arg6[%add3A_330, %dma_start3A_341] : memref<10112x64xf32, #tpu.memory_space<vmem_shared>> -> memref<312x64xf32, #tpu.memory_space<vmem_shared>>
      tpu.enqueue_dma source(%dma_start3A_342 : memref<312x64xf32, #tpu.memory_space<vmem_shared>>) target(%dma_start3A_340 : memref<312x64xf32, #tpu.memory_space<vmem>>) target_semaphore(%run_scoped3A : memref<!tpu.dma_semaphore, #tpu.memory_space<semaphore_mem>>)
      %dma_wait3A_343 = arith.constant 0 : i32
      %dma_wait3A_344 = arith.constant 0 : i32
      %dma_wait3A_345 = tpu.memref_slice %arg7[%dma_wait3A_343, %dma_wait3A_344] : memref<320x64xf32, #tpu.memory_space<vmem>> -> memref<312x64xf32, #tpu.memory_space<vmem>>
      %dma_wait3A_346 = arith.constant 0 : i32
      %dma_wait3A_347 = tpu.memref_slice %arg6[%add3A_330, %dma_wait3A_346] : memref<10112x64xf32, #tpu.memory_space<vmem_shared>> -> memref<312x64xf32, #tpu.memory_space<vmem_shared>>
      %dma_wait3A_348 = arith.constant 0 : i32
      %dma_wait3A_349 = arith.constant 0 : i32
      %dma_wait3A_350 = tpu.memref_slice %arg7[%dma_wait3A_348, %dma_wait3A_349] : memref<320x64xf32, #tpu.memory_space<vmem>> -> memref<312x64xf32, #tpu.memory_space<vmem>>
      %dma_wait3A_351 = arith.constant 0 : i32
      %dma_wait3A_352 = tpu.memref_slice %arg6[%add3A_330, %dma_wait3A_351] : memref<10112x64xf32, #tpu.memory_space<vmem_shared>> -> memref<312x64xf32, #tpu.memory_space<vmem_shared>>
      tpu.wait_dma2 semaphore(%run_scoped3A : memref<!tpu.dma_semaphore, #tpu.memory_space<semaphore_mem>>) src(%dma_wait3A_352 : memref<312x64xf32, #tpu.memory_space<vmem_shared>>) dst(%dma_wait3A_350 : memref<312x64xf32, #tpu.memory_space<vmem>>)
      tpu.yield
    }) : () -> ()
    %add3A_331 = arith.constant 320 : i32
    %add3A_332 = arith.addi %multiple_of3A, %add3A_331 : i32
    "tpu.region"() ({
      %run_scoped3A = tpu.sem_alloc : memref<!tpu.dma_semaphore, #tpu.memory_space<semaphore_mem>>
      %dma_start3A_333 = arith.constant 0 : i32
      %dma_start3A_334 = arith.constant 0 : i32
      %dma_start3A_335 = tpu.memref_slice %arg7[%dma_start3A_333, %dma_start3A_334] : memref<320x64xf32, #tpu.memory_space<vmem>> -> memref<312x64xf32, #tpu.memory_space<vmem>>
      %dma_start3A_336 = arith.constant 0 : i32
      %dma_start3A_337 = tpu.memref_slice %arg5[%arg0, %add3A_332, %dma_start3A_336] : memref<2x10112x64xf32, #tpu.memory_space<hbm>> -> memref<1x312x64xf32, #tpu.memory_space<hbm>>
      %dma_start3A_338 = tpu.memref_squeeze %dma_start3A_337 : memref<1x312x64xf32, #tpu.memory_space<hbm>> -> memref<312x64xf32, #tpu.memory_space<hbm>>
      %dma_start3A_339 = arith.constant 0 : i32
      %dma_start3A_340 = tpu.memref_slice %arg5[%arg0, %add3A_332, %dma_start3A_339] : memref<2x10112x64xf32, #tpu.memory_space<hbm>> -> memref<1x312x64xf32, #tpu.memory_space<hbm>>
      %dma_start3A_341 = tpu.memref_squeeze %dma_start3A_340 : memref<1x312x64xf32, #tpu.memory_space<hbm>> -> memref<312x64xf32, #tpu.memory_space<hbm>>
      %dma_start3A_342 = arith.constant 0 : i32
      %dma_start3A_343 = arith.constant 0 : i32
      %dma_start3A_344 = tpu.memref_slice %arg7[%dma_start3A_342, %dma_start3A_343] : memref<320x64xf32, #tpu.memory_space<vmem>> -> memref<312x64xf32, #tpu.memory_space<vmem>>
      tpu.enqueue_dma source(%dma_start3A_344 : memref<312x64xf32, #tpu.memory_space<vmem>>) target(%dma_start3A_341 : memref<312x64xf32, #tpu.memory_space<hbm>>) target_semaphore(%run_scoped3A : memref<!tpu.dma_semaphore, #tpu.memory_space<semaphore_mem>>)
      %dma_wait3A_345 = arith.constant 0 : i32
      %dma_wait3A_346 = arith.constant 0 : i32
      %dma_wait3A_347 = tpu.memref_slice %arg7[%dma_wait3A_345, %dma_wait3A_346] : memref<320x64xf32, #tpu.memory_space<vmem>> -> memref<312x64xf32, #tpu.memory_space<vmem>>
      %dma_wait3A_348 = arith.constant 0 : i32
      %dma_wait3A_349 = tpu.memref_slice %arg5[%arg0, %add3A_332, %dma_wait3A_348] : memref<2x10112x64xf32, #tpu.memory_space<hbm>> -> memref<1x312x64xf32, #tpu.memory_space<hbm>>
      %dma_wait3A_350 = tpu.memref_squeeze %dma_wait3A_349 : memref<1x312x64xf32, #tpu.memory_space<hbm>> -> memref<312x64xf32, #tpu.memory_space<hbm>>
      %dma_wait3A_351 = arith.constant 0 : i32
      %dma_wait3A_352 = tpu.memref_slice %arg5[%arg0, %add3A_332, %dma_wait3A_351] : memref<2x10112x64xf32, #tpu.memory_space<hbm>> -> memref<1x312x64xf32, #tpu.memory_space<hbm>>
      %dma_wait3A_353 = tpu.memref_squeeze %dma_wait3A_352 : memref<1x312x64xf32, #tpu.memory_space<hbm>> -> memref<312x64xf32, #tpu.memory_space<hbm>>
      %dma_wait3A_354 = arith.constant 0 : i32
      %dma_wait3A_355 = arith.constant 0 : i32
      %dma_wait3A_356 = tpu.memref_slice %arg7[%dma_wait3A_354, %dma_wait3A_355] : memref<320x64xf32, #tpu.memory_space<vmem>> -> memref<312x64xf32, #tpu.memory_space<vmem>>
      tpu.wait_dma2 semaphore(%run_scoped3A : memref<!tpu.dma_semaphore, #tpu.memory_space<semaphore_mem>>) src(%dma_wait3A_356 : memref<312x64xf32, #tpu.memory_space<vmem>>) dst(%dma_wait3A_353 : memref<312x64xf32, #tpu.memory_space<hbm>>)
      tpu.yield
    }) : () -> ()
    return
  }
}

module attributes {stable_mosaic.version = 14 : i64} {
  func.func @body(%arg0: i32, %arg1: memref<2x1000x64xf32, #tpu.memory_space<vmem>>, %arg2: memref<128x128xf32, #tpu.memory_space<vmem>>, %arg3: memref<1000x128xf32, #tpu.memory_space<vmem>>) attributes {dimension_semantics = [#tpu.dimension_semantics<arbitrary>], iteration_bounds = array<i64: 10>, scalar_prefetch = 0 : i64, scratch_operands = 0 : i64, tpu.core_type = #tpu.core_type<tc>, window_params = [{transform_indices = @transform_0, window_bounds = array<i64: 2, 1000, 64>}, {pipeline_mode = #tpu.pipeline_mode<synchronous>, transform_indices = @transform_1, window_bounds = array<i64: 128, 128>}, {transform_indices = @transform_2, window_bounds = array<i64: 1000, 128>}]} {
    %get3A = arith.constant 0 : index
    %get3A_0 = arith.constant 0 : index
    %get3A_1 = arith.constant 0 : index
    %get3A_2 = vector.load %arg1[%get3A, %get3A_0, %get3A_1] : memref<2x1000x64xf32, #tpu.memory_space<vmem>>, vector<1x1000x64xf32>
    %get3A_3 = vector.shape_cast %get3A_2 : vector<1x1000x64xf32> to vector<1000x64xf32>
    %get3A_4 = arith.constant 0 : index
    %get3A_5 = arith.constant 0 : index
    %get3A_6 = vector.load %arg2[%get3A_4, %get3A_5] : memref<128x128xf32, #tpu.memory_space<vmem>>, vector<64x128xf32>
    %dot_general3A = arith.constant dense<0.000000e+00> : vector<1000x128xf32>
    %dot_general3A_7 = tpu.matmul %get3A_3, %get3A_6, %dot_general3A {dimension_numbers = #tpu.dot_dimension_numbers<[1], [0], [0], [1], [0, 0, 1, 1], [], []>, transpose_lhs_hint = false} : vector<1000x64xf32>, vector<64x128xf32>, vector<1000x128xf32> -> vector<1000x128xf32>
    %get3A_8 = arith.constant 1 : index
    %get3A_9 = arith.constant 0 : index
    %get3A_10 = arith.constant 0 : index
    %get3A_11 = vector.load %arg1[%get3A_8, %get3A_9, %get3A_10] : memref<2x1000x64xf32, #tpu.memory_space<vmem>>, vector<1x1000x64xf32>
    %get3A_12 = vector.shape_cast %get3A_11 : vector<1x1000x64xf32> to vector<1000x64xf32>
    %get3A_13 = arith.constant 64 : index
    %get3A_14 = arith.constant 0 : index
    %get3A_15 = vector.load %arg2[%get3A_13, %get3A_14] : memref<128x128xf32, #tpu.memory_space<vmem>>, vector<64x128xf32>
    %dot_general3A_16 = arith.constant dense<0.000000e+00> : vector<1000x128xf32>
    %dot_general3A_17 = tpu.matmul %get3A_12, %get3A_15, %dot_general3A_16 {dimension_numbers = #tpu.dot_dimension_numbers<[1], [0], [0], [1], [0, 0, 1, 1], [], []>, transpose_lhs_hint = false} : vector<1000x64xf32>, vector<64x128xf32>, vector<1000x128xf32> -> vector<1000x128xf32>
    %add3A = arith.addf %dot_general3A_7, %dot_general3A_17 : vector<1000x128xf32>
    %swap3A = arith.constant 0 : index
    %swap3A_18 = arith.constant 0 : index
    %swap3A_19 = vector.load %arg3[%swap3A, %swap3A_18] : memref<1000x128xf32, #tpu.memory_space<vmem>>, vector<1000x128xf32>
    tpu.vector_store %arg3[%swap3A, %swap3A_18], %add3A {strides = array<i32>} : memref<1000x128xf32, #tpu.memory_space<vmem>>, vector<1000x128xf32>,
    return
  }
  func.func @transform_0(%arg0: i32) -> (i32, i32, i32) {
    %c0_i32 = arith.constant 0 : i32
    %c0_i32_0 = arith.constant 0 : i32
    %c0_i32_1 = arith.constant 0 : i32
    return %c0_i32, %arg0, %c0_i32_0 : i32, i32, i32
  }
  func.func @transform_1(%arg0: i32) -> (i32, i32) {
    %c0_i32 = arith.constant 0 : i32
    %c0_i32_0 = arith.constant 0 : i32
    %c0_i32_1 = arith.constant 0 : i32
    return %c0_i32, %c0_i32_0 : i32, i32
  }
  func.func @transform_2(%arg0: i32) -> (i32, i32) {
    %c0_i32 = arith.constant 0 : i32
    %c0_i32_0 = arith.constant 0 : i32
    return %arg0, %c0_i32 : i32, i32
  }
}

</mosaic_0001>

<sc_bundles>
// kernel: kernel.4.cloned.1.call-start
scs
__scs_entry_jumppad:
0x0: {  	(pc) =	sbr.rel $0x88, $3  }
0x1: {  	(tag) =	ssettag $0x0;
	lr =	simm.s32 $0x1  }
0x2: {  	[smem:$0x3F9E] =	sst lr;
	_ =	strace $0xD0000000  }
0x3: {  	_ = 	snop  }
0x4: {  	_ = 	snop  }
0x5: {  	_ = 	snop  }
0x6: {  	_ = 	snop  }
0x7: {  	_ = 	snop  }
__scs_overlays_trampoline_lowered:
0x8: {  	[smem:$0x3FAD] =	sst s0  }
0x9: {  	[smem:$0x3FAE] =	sst s1  }
0xa: {  	[smem:$0x3FAF] =	sst s2  }
0xb: {  	[smem:$0x3FB0] =	sst s3  }
0xc: {  	[smem:$0x3FB1] =	sst s4  }
0xd: {  	[smem:$0x3FB2] =	sst s5  }
0xe: {  	[smem:$0x3FB3] =	sst s6  }
0xf: {  	[smem:$0x3FB4] =	sst s7  }
0x10: {  	[smem:$0x3FB5] =	sst s8  }
0x11: {  	[smem:$0x3FB6] =	sst s9;
	s0 =	simm.s32 @!p0 $0x0  }
0x12: {  	s1 =	sld [smem:$0x3F9C];
	s0 =	simm.s32 @p0 $0x1  }
0x13: {  	[smem:$0x3FB7] =	sst s0;
	s0 =	simm.s32 @!p1 $0x0  }
0x14: {  	s2 =	sld [smem:$0x3F9B];
	s0 =	simm.s32 @p1 $0x1  }
0x15: {  	[smem:$0x3FB8] =	sst s0;
	s0 =	simm.s32 @!p2 $0x0  }
0x16: {  	s3 =	sld [smem:$0x3FDB];
	s0 =	simm.s32 @p2 $0x1  }
0x17: {  	s4 =	simm.s32 $0x1BF5;
	[smem:$0x3FBA] =	sst s0  }
0x18: {  	s0 =	sld [smem:$0x3F9D];
	_ =	swait.ge [sflag:s4], $0x0  }
0x19: {  	s7 =	sld [smem:$0x3F9E]  }
0x1a: {  	s8 =	sadd.s32 $0xFFFFE003, lr  }
0x1b: {  	s9 =	sadd.s32 $0xFFFFFEF7, lr;
	s5 =	simm.s32 $0xFFFFFFFF;
	p2 =	slt.u32 s8, $0xFFFFF086  }
0x1c: {  	p1 =	slt.u32 s9, $0xF7A;
	s5 =	simm.s32 @!p2 $0x0  }
0x1d: {  	s5 =	simm.s32 @p1 $0x1;
	p0 =	seq.s32 s7, s2  }
0x1e: {  	s7 =	smul.u32 @!p0 $0xF7A, s2;
	p2 =	seq.s32 @!p0 s5, $0x0  }
0x1f: {  	s9 =	smul.u32 $0xF7A, s1;
	s8 =	simm.s32 @!p0 $0x1BF5;
	p2 =	por !p2, p0  }
0x20: {  	[sflag:s8] =	ssyncset.s32 @!p0 $0xFFFFF086;
	s6 =	sadd.s32 @!p0 s3, s7;
	s7 =	simm.s32 @!p0 $0x108  }
0x21: {  	s3 =	sadd.s32 s3, s9;
	s6 =	sadd.s32 @!p0 $0x88, s6;
	s7 =	simm.s32 @p2 $0x1082  }
0x22: {  	[simem:s7], [sflag:s8] =	dma.local @!p0 [hbm:s6], $0xF7A  }
0x23: {  	s9 =	sor.u32 $0xD0000000, s2;
	s6 =	simm.s32 $0x108;
	_ =	swait.ge @!p0 [sflag:s8], $0x0  }
0x24: {  	s3 =	sadd.s32 $0x88, s3;
	s6 =	simm.s32 @!p1 $0x1082;
	[sflag:s4] =	ssyncset.s32 $0xFFFFF086  }
0x25: {  	[simem:s6], [sflag:s4] =	dma.local [hbm:s3], $0xF7A  }
0x26: {  	[smem:$0x3F9E] =	sst s1;
	(tag) =	ssettag s2;
	_ =	strace s9  }
0x27: {  	s1 =	sld [smem:$0x3FAE]  }
0x28: {  	s2 =	sld [smem:$0x3FAF]  }
0x29: {  	s4 =	sld [smem:$0x3FB1]  }
0x2a: {  	p0 =	seq.s32 s5, $0x0;
	s5 =	sld [smem:$0x3FB2]  }
0x2b: {  	s6 =	sld [smem:$0x3FB3]  }
0x2c: {  	s7 =	sld [smem:$0x3FB4]  }
0x2d: {  	s3 =	simm.s32 $0x108;
	s8 =	sld [smem:$0x3FB5]  }
0x2e: {  	s3 =	simm.s32 @!p0 $0x1082;
	s9 =	sld [smem:$0x3FB6]  }
0x2f: {  	lr =	sadd.s32 s0, s3;
	s0 =	sld [smem:$0x3FAD]  }
0x30: {  	s3 =	sld [smem:$0x3FB0]  }
0x31: {  	[smem:$0x3FB9] =	sst s10  }
0x32: {  	s10 =	sld [smem:$0x3FB7];
	_ =	sdelay $0x3  }
0x33: {  	p0 =	seq.s32 s10, $0x1;
	s10 =	sld [smem:$0x3FB9];
	_ =	sdelay $0x3  }
0x34: {  	[smem:$0x3FB9] =	sst s10  }
0x35: {  	s10 =	sld [smem:$0x3FB8];
	_ =	sdelay $0x3  }
0x36: {  	p1 =	seq.s32 s10, $0x1;
	s10 =	sld [smem:$0x3FB9];
	_ =	sdelay $0x3  }
0x37: {  	[smem:$0x3FB9] =	sst s10  }
0x38: {  	s10 =	sld [smem:$0x3FBA]  }
0x39: {  	_ = 	snop;
	(pc) =	sbr.ind lr, $3  }
0x3a: {  	_ = 	snop  }
0x3b: {  	_ = 	snop  }
0x3c: {  	p2 =	seq.s32 s10, $0x1;
	s10 =	sld [smem:$0x3FB9]  }
0x3d: {  	_ =	shalt  }
0x3e: {  	_ =	shalt  }
0x3f: {  	_ =	shalt  }
0x40: {  	_ =	shalt  }
0x41: {  	_ =	shalt  }
0x42: {  	_ =	shalt  }
0x43: {  	_ =	shalt  }
0x44: {  	_ =	shalt  }
0x45: {  	_ =	shalt  }
0x46: {  	_ =	shalt  }
0x47: {  	_ =	shalt  }
0x48: {  	_ =	shalt  }
0x49: {  	_ =	shalt  }
0x4a: {  	_ =	shalt  }
0x4b: {  	_ =	shalt  }
0x4c: {  	_ =	shalt  }
0x4d: {  	_ =	shalt  }
0x4e: {  	_ =	shalt  }
0x4f: {  	_ =	shalt  }
0x50: {  	_ =	shalt  }
0x51: {  	_ =	shalt  }
0x52: {  	_ =	shalt  }
0x53: {  	_ =	shalt  }
0x54: {  	_ =	shalt  }
0x55: {  	_ =	shalt  }
0x56: {  	_ =	shalt  }
0x57: {  	_ =	shalt  }
0x58: {  	_ =	shalt  }
0x59: {  	_ =	shalt  }
0x5a: {  	_ =	shalt  }
0x5b: {  	_ =	shalt  }
0x5c: {  	_ =	shalt  }
0x5d: {  	_ =	shalt  }
0x5e: {  	_ =	shalt  }
0x5f: {  	_ =	shalt  }
0x60: {  	_ =	shalt  }
0x61: {  	_ =	shalt  }
0x62: {  	_ =	shalt  }
0x63: {  	_ =	shalt  }
0x64: {  	_ =	shalt  }
0x65: {  	_ =	shalt  }
0x66: {  	_ =	shalt  }
0x67: {  	_ =	shalt  }
0x68: {  	_ =	shalt  }
0x69: {  	_ =	shalt  }
0x6a: {  	_ =	shalt  }
0x6b: {  	_ =	shalt  }
0x6c: {  	_ =	shalt  }
0x6d: {  	_ =	shalt  }
0x6e: {  	_ =	shalt  }
0x6f: {  	_ =	shalt  }
0x70: {  	_ =	shalt  }
0x71: {  	_ =	shalt  }
0x72: {  	_ =	shalt  }
0x73: {  	_ =	shalt  }
0x74: {  	_ =	shalt  }
0x75: {  	_ =	shalt  }
0x76: {  	_ =	shalt  }
0x77: {  	_ =	shalt  }
0x78: {  	_ =	shalt  }
0x79: {  	_ =	shalt  }
0x7a: {  	_ =	shalt  }
0x7b: {  	_ =	shalt  }
0x7c: {  	_ =	shalt  }
0x7d: {  	_ =	shalt  }
0x7e: {  	_ =	shalt  }
0x7f: {  	_ =	shalt  }
0x80: {  	_ =	shalt  }
0x81: {  	_ =	shalt  }
0x82: {  	_ =	shalt  }
0x83: {  	_ =	shalt  }
0x84: {  	_ =	shalt  }
0x85: {  	_ =	shalt  }
0x86: {  	_ =	shalt  }
0x87: {  	_ =	shalt  }
.Lfunc_end0:
.L_simem_size_0:
called_computation_lowered:
.L_overlay_start_0:
0x88: {  	s2 =	sld [smem:$0x3FD9]  }
0x89: {  	s3 =	sld [smem:$0x3FFE];
	_ =	sdelay $0x1  }
0x8a: {  	s1 =	srdreg.scid  }
0x8b: {  	s0 =	sand.u32 $0x1, s1  }
0x8c: {  	s17 =	sshll.u32 s0, $0xA;
	s2 =	sadd.s32 s3, s2  }
0x8d: {  	s2 =	sadd.s32 s2, s17  }
0x8e: {  	[smem:$0x3FC5] =	sst s2  }
0x8f: {  	_ = 	snop  }
0x90: {  	s2 =	sld [smem:$0x3FC9]  }
0x91: {  	s18 =	sld [smem:$0x3FD0];
	(tm) =	ssettm $0x1  }
0x92: {  	s4 =	sld [smem:$0x3FFB];
	_ =	sdelay $0x3  }
0x93: {  	_ =	strace s4  }
0x94: {  	s4 =	sld [smem:$0x3FFC];
	_ =	sdelay $0x3  }
0x95: {  	_ =	strace s4  }
0x96: {  	s4 =	sld [smem:$0x3FFD];
	_ =	sdelay $0x3  }
0x97: {  	_ =	strace s4  }
0x98: {  	_ =	strace $0x8FFFFFFF  }
0x99: {  	s19 =	sld [smem:$0x3FDB];
	_ =	sdelay $0x1  }
0x9a: {  	s5 =	simm.s32 $_scs_section_size  }
0x9b: {  	s6 =	simm.s32 $_size__tile_overlayer_lowered;
	s7 =	simm.s32 $_tile_overlayer_lowered  }
0x9c: {  	s22 =	simm.s32 $0x1BFF;
	s21 =	sshll.u32 s7, $0x1;
	s4 =	sadd.s32 s5, s19  }
0x9d: {  	s8 =	simm.s32 $0x0;
	s20 =	sshll.u32 s6, $0x1;
	s6 =	sadd.s32 s21, s4  }
0x9e: {  	[timem:s8], [sflag:s22] =	dma.local [hbm:s6], s20  }
0x9f: {  	_ =	swait.ge [sflag:s22], s20  }
0xa0: {  	s5 =	ssub.s32 $0x0, s20;
	[sflag:s22] =	ssyncset.done $0x0  }
0xa1: {  	[sflag:s22] =	ssyncadd.s32 s5;
	_ =	sdelay $0x1  }
0xa2: {  	s23 =	simm.s32 $0x1B8B  }
0xa3: {  	_ =	swait.ge [sflag:s23], $0x1  }
0xa4: {  	[sflag:s23] =	ssyncset.done $0x0  }
0xa5: {  	s25 =	simm.s32 $0x1B8E;
	s24 =	sld [smem:$0x3FFE];
	[sflag:s23] =	ssyncadd.s32 $0xFFFFFFFF  }
0xa6: {  	s26 =	simm.s32 $execute0_lowered;
	[smem:$0x3FD2] =	sst s25  }
0xa7: {  	s6 =	sshll.u32 s26, $0x1;
	_ =	strace $0x80000046;
	[dreg:$0x1] =	wrdreg $0xFFFFFFFF  }
0xa8: {  	s28 =	simm.s32 $_size_execute0_lowered;
	s4 =	sadd.s32 s4, s6;
	[dreg:$0x0] =	wrdreg $0x0  }
0xa9: {  	s6 =	sshll.u32 s28, $0x1;
	[dreg:$0x2] =	wrdreg s4  }
0xaa: {  	[dreg:$0x3] =	wrdreg s6  }
0xab: {  	[dreg:$0x4] =	wrdreg $0xC0  }
0xac: {  	_ =	task [dreg:s8], $0x5FFFF  }
0xad: {  	[dreg:$0x1] =	wrdreg $0xFFFFFFFF  }
0xae: {  	[dreg:$0x0] =	wrdreg $0x60  }
0xaf: {  	[dreg:$0x2] =	wrdreg s2  }
0xb0: {  	[dreg:$0x3] =	wrdreg s24  }
0xb1: {  	[dreg:$0x4] =	wrdreg s18  }
0xb2: {  	[dreg:$0x5] =	wrdreg $0x0  }
0xb3: {  	[dreg:$0x6] =	wrdreg $0x9  }
0xb4: {  	_ =	task.clear_ibuf [dreg:s8], $0x7FFFF;
	_ =	strace $0x90000046  }
0xb5: {  	s29 =	simm.s32 $0x9;
	_ =	strace $0x80000048  }
0xb6: {  	_ =	swait.ge [sflag:s29], $0x1  }
0xb7: {  	[sflag:s29] =	ssyncadd.s32 $0xFFFFFFFF  }
0xb8: {  	_ =	strace $0x90000048  }
0xb9: {  	_ =	sfence  }
0xba: {  	s30 =	sld [smem:$0x0];
	_ =	sdelay $0x2  }
0xbb: {  	s31 =	sshll.u32 s1, $0xD;
	s1 =	sshrl.u32 s1, $0x2  }
0xbc: {  	s3 =	sand.u32 $0x4000, s31;
	s1 =	sadd.s32 s1, s30  }
0xbd: {  	s0 =	sor.u32 s3, s0;
	s1 =	sshll.u32 s1, $0x11  }
0xbe: {  	s0 =	sor.u32 s1, s0  }
0xbf: {  	s0 =	sadd.s32 $0x8F2B, s0  }
0xc0: {  	[sflag:s0] =	ssyncadd.remote.s32 $0x1  }
0xc1: {  	_ =	sfence.sel $0xFFFF  }
0xc2: {  	[dreg:$0x0] =	wrdreg $0xFFFFFFFF;
	(pc) =	sbr.abs _section_cstart, $3  }
0xc3: {  	[dreg:$0x1] =	wrdreg $0xFFFFFFFF  }
0xc4: {  	_ =	task.clear_ibuf [dreg:s8], $0x2FFFF;
	_ =	strace $0x9FFFFFFF  }
0xc5: {  	(tm) =	ssettm $0x7FFFFFFF  }
tec
execute0_lowered:
.L_overlay_start_1:
0x0: {  	(tag) =	ssettag $0x1  }
0x1: {  	s1 =	rddreg [dreg:$0x0]  }
0x2: {  	s0 =	rddreg [dreg:$0x1]  }
0x3: {  	s2 =	rddreg [dreg:$0x2]  }
0x4: {  	s3 =	rddreg [dreg:$0x3];
	s4 =	simm.s32 $0x0  }
0x5: {  	s5 =	srdreg.scid;
	s7 =	stileid.u32;
	s14 =	simm.s32 $0x9E00  }
0x6: {  	s15 =	simm.s32 $0x7;
	s16 =	simm.s32 $0x5;
	s17 =	simm.s32 $0x6  }
0x7: {  	s18 =	simm.s32 $0x50;
	s19 =	simm.s32 $0x18A40;
	s21 =	simm.s32 $0x19E40  }
0x8: {  	s23 =	simm.s32 $0x1B240;
	s28 =	simm.s32 $0x3;
	s29 =	simm.s32 $0x4  }
0x9: {  	s30 =	simm.s32 $0x189A0;
	s31 =	simm.s32 $0x189F0;
	s6 =	smul.u32 $0x9C4, s7  }
0xa: {  	[smem:$0x7FF] =	sst s4;
	s13 =	sand.u32 $0x1, s5;
	s7 =	smul.u32 $0x9E00, s7  }
0xb: {  	s10 =	sadd.s32 $0x9E00, s0;
	_ =	strace $0x80000047;
	s5 =	ssub.s32 $0x2, s13  }
0xc: {  	s9 =	smul.u32 $0x9E000, s13;
	s8 =	sshrl.u32 s5, $0x1;
	s24 =	sadd.s32 $0x5000, s7  }
0xd: {  	s11 =	ssub.s32 s5, s8;
	s5 =	sadd.s32 s0, s6;
	s6 =	sadd.s32 s2, s6  }
.Ltmp0:
0xe: {  	s25 =	sadd.s32 s7, s9;
	s26 =	sadd.s32 s9, s24;
	(pc) =	sbr.rel .LBB2_1-.Ltmp0, $4  }
0xf: {  	s7 =	sadd.s32 s7, s3;
	s8 =	sadd.s32 s24, s3;
	s24 =	simm.s32 $0x1  }
0x10: {  	s0 =	simm.s32 $0x0;
	s2 =	sshrl.u32 s25, $0x3;
	s12 =	sshrl.u32 s26, $0x3  }
0x11: {  	s11 =	smax.u32 s11, $0x1;
	s25 =	simm.s32 $0x1C640;
	s26 =	simm.s32 $0x2  }
0x12: {  	v1 =	vimm.f32 $0.0e+00;
	v0 =	vmov s13;
	s9 =	sadd.s32 s10, s2;
	s10 =	sadd.s32 s10, s12;
	s12 =	simm.s32 $0xEE00  }
.LBB2_6:
0x13: {  	_ =	swait.ge [sflag:s24], $0x1400  }
0x14: {  	[sflag:s24] =	ssyncset.done $0x0  }
0x15: {  	[sflag:s24] =	ssyncadd.s32 $0xFFFFEC00  }
0x16: {  	[spmem:s3] =	stream.indirect.scatter.add.f32 [tilespmem:s19], [sflag:$0x1], $0x40, s30, s18, $0xb8;
	[tilespmem:$0x1DA40] =	vst v63  }
0x17: {  	_ =	swait.ge [sflag:s29], $0x1400  }
0x18: {  	[sflag:s29] =	ssyncset.done $0x0  }
0x19: {  	[sflag:s29] =	ssyncadd.s32 $0xFFFFEC00  }
0x1a: {  	_ =	swait.ge [sflag:s26], $0x1400  }
0x1b: {  	[sflag:s26] =	ssyncset.done $0x0  }
0x1c: {  	[sflag:s26] =	ssyncadd.s32 $0xFFFFEC00  }
0x1d: {  	[spmem:s3] =	stream.indirect.scatter.add.f32 [tilespmem:s21], [sflag:$0x2], $0x40, s31, s18, $0xb8;
	[tilespmem:$0x1DA40] =	vst v63  }
0x1e: {  	_ =	swait.ge [sflag:s24], $0x1400  }
0x1f: {  	[sflag:s24] =	ssyncset.done $0x0  }
0x20: {  	[sflag:s24] =	ssyncadd.s32 $0xFFFFEC00  }
0x21: {  	_ =	swait.ge [sflag:s26], $0x1400  }
0x22: {  	[sflag:s26] =	ssyncset.done $0x0  }
0x23: {  	[sflag:s26] =	ssyncadd.s32 $0xFFFFEC00  }
0x24: {  	[bflag:$0x0] =	sbarrier.arrive $0xFFFF  }
0x25: {  	[tilespmem:s14], [sflag:$0x7] =	stream.linear.gather [spmem:s7], $0x5000, $0x38;
	[tilespmem:$0x1DA40] =	vst v63  }
0x26: {  	_ =	swait.ge [sflag:s15], $0x5000  }
0x27: {  	[sflag:s15] =	ssyncset.done $0x0  }
0x28: {  	[sflag:s15] =	ssyncadd.s32 $0xFFFFB000  }
0x29: {  	[hbm4b:s9+s4] =	stream.linear.scatter [tilespmem:s14], [sflag:$0x7], $0x5000, $0x38;
	[tilespmem:$0x1DA40] =	vst v63  }
0x2a: {  	_ =	swait.ge [sflag:s15], $0x5000  }
0x2b: {  	[sflag:s15] =	ssyncset.done $0x0  }
0x2c: {  	[sflag:s15] =	ssyncadd.s32 $0xFFFFB000  }
0x2d: {  	[tilespmem:s14], [sflag:$0x7] =	stream.linear.gather [spmem:s8], $0x4E00, $0x38;
	[tilespmem:$0x1DA40] =	vst v63  }
0x2e: {  	s0 =	sadd.s32 $0x1, s0;
	_ =	swait.ge [sflag:s15], $0x4E00  }
0x2f: {  	p0 =	sne.s32 s0, s11;
	[sflag:s15] =	ssyncset.done $0x0  }
.Ltmp1:
0x30: {  	[sflag:s15] =	ssyncadd.s32 $0xFFFFB200;
	(pc) =	sbr.rel @!p0 .LBB2_7-.Ltmp1, $4  }
0x31: {  	[hbm4b:s10+s4] =	stream.linear.scatter [tilespmem:s14], [sflag:$0x7], $0x4E00, $0x38;
	[tilespmem:$0x1DA40] =	vst v63  }
0x32: {  	_ =	swait.ge [sflag:s15], $0x4E00  }
0x33: {  	[sflag:s15] =	ssyncset.done $0x0  }
0x34: {  	[sflag:s15] =	ssyncadd.s32 $0xFFFFB200  }
.LBB2_1:
0x35: {  	[tilespmem:s12], [sflag:$0x5] =	stream.linear.gather [hbm4b:s5+s4], $0x4E20, $0x38;
	[tilespmem:$0x1DA40] =	vst v63  }
0x36: {  	s22 =	sand.u32 $0x1FF00, s4  }
0x37: {  	s2 =	simm.s32 $0x13C20;
	s13 =	sand.u32 $0x30, s4;
	s20 =	sshrl.u32 s22, $0x2  }
0x38: {  	[tilespmem:s2], [sflag:$0x6] =	stream.linear.gather [hbm4b:s6+s4], $0x4E20, $0x38;
	[tilespmem:$0x1DA40] =	vst v63  }
0x39: {  	s2 =	simm.s32 $0x40;
	s20 =	sor.u32 s13, s20;
	s13 =	simm.s32 $0x0  }
.LBB2_2:
0x3a: {  	p0 =	sne.s32 s2, $0x13FC0  }
0x3b: {  	[tilespmem:s20+$0x9E00] =	vst v1;
	s13 =	sadd.s32 $0x10, s13;
	s20 =	smov.u32 s2;
	s2 =	sadd.s32 $0x40, s2  }
.Ltmp2:
0x3c: {  	(pc) =	sbr.rel @p0 .LBB2_2-.Ltmp2, $4  }
0x3d: {  	_ = 	snop  }
0x3e: {  	s20 =	sand.u32 $0x1FF00, s20  }
0x3f: {  	s22 =	sand.u32 $0x30, s13;
	s20 =	sshrl.u32 s20, $0x2  }
0x40: {  	s20 =	sor.u32 s22, s20  }
0x41: {  	[tilespmem:s20+$0x9E00] =	vst v1  }
0x42: {  	[spmem:s7] =	stream.linear.scatter [tilespmem:s14], [sflag:$0x7], $0x5000, $0x38;
	[tilespmem:$0x1DA40] =	vst v63  }
0x43: {  	_ =	swait.ge [sflag:s15], $0x5000  }
0x44: {  	[sflag:s15] =	ssyncset.done $0x0  }
0x45: {  	[sflag:s15] =	ssyncadd.s32 $0xFFFFB000  }
0x46: {  	[spmem:s8] =	stream.linear.scatter [tilespmem:s14], [sflag:$0x7], $0x4E00, $0x38;
	[tilespmem:$0x1DA40] =	vst v63  }
0x47: {  	_ =	swait.ge [sflag:s15], $0x4E00  }
0x48: {  	[sflag:s15] =	ssyncset.done $0x0  }
0x49: {  	[sflag:s15] =	ssyncadd.s32 $0xFFFFB200  }
0x4a: {  	_ =	swait.ge [sflag:s16], $0x4E20  }
0x4b: {  	[sflag:s16] =	ssyncset.done $0x0  }
0x4c: {  	[sflag:s16] =	ssyncadd.s32 $0xFFFFB1E0  }
0x4d: {  	_ =	swait.ge [sflag:s17], $0x4E20  }
0x4e: {  	[sflag:s17] =	ssyncset.done $0x0  }
0x4f: {  	[sflag:s17] =	ssyncadd.s32 $0xFFFFB1E0  }
0x50: {  	[bflag:$0x0] =	sbarrier.arrive $0xFFFF  }
0x51: {  	v2 =	vld [tilespmem:$0xEE00]  }
0x52: {  	v3 =	vld [tilespmem:$0xEE10]  }
0x53: {  	v4 =	vld [tilespmem:$0xEE20]  }
0x54: {  	v5 =	vld [tilespmem:$0xEE30]  }
0x55: {  	v6 =	vld [tilespmem:$0xEE40]  }
0x56: {  	v2 =	vshll.u32 v2, $0x1  }
0x57: {  	v3 =	vshll.u32 v3, $0x1;
	v2 =	vor.u32 v0, v2  }
0x58: {  	[tilespmem:$0xEE00] =	vst v2;
	v2 =	vor.u32 v0, v3;
	v3 =	vshll.u32 v4, $0x1  }
0x59: {  	[tilespmem:$0xEE10] =	vst v2;
	v2 =	vor.u32 v0, v3;
	v3 =	vshll.u32 v5, $0x1  }
0x5a: {  	[tilespmem:$0xEE20] =	vst v2;
	v2 =	vor.u32 v0, v3;
	v3 =	vshll.u32 v6, $0x1  }
0x5b: {  	[tilespmem:$0xEE30] =	vst v2;
	v2 =	vor.u32 v0, v3  }
0x5c: {  	[tilespmem:$0xEE40] =	vst v2  }
0x5d: {  	[tilespmem:s19], [sflag:$0x1] =	stream.indirect.gather [hbm4b:s1+s18], $0x40, s12, s18, $0xb8;
	[tilespmem:$0x1DA40] =	vst v63  }
0x5e: {  	v2 =	vld [tilespmem:$0xEE50]  }
0x5f: {  	v3 =	vld [tilespmem:$0xEE60]  }
0x60: {  	v58 =	vld [tilespmem:$0xEE70]  }
0x61: {  	v59 =	vld [tilespmem:$0xEE80]  }
0x62: {  	v60 =	vld [tilespmem:$0xEE90]  }
0x63: {  	v2 =	vshll.u32 v2, $0x1  }
0x64: {  	v3 =	vshll.u32 v3, $0x1;
	v2 =	vor.u32 v0, v2  }
0x65: {  	[tilespmem:$0xEE50] =	vst v2;
	v2 =	vor.u32 v0, v3;
	v3 =	vshll.u32 v58, $0x1  }
0x66: {  	[tilespmem:$0xEE60] =	vst v2;
	v2 =	vor.u32 v0, v3;
	v3 =	vshll.u32 v59, $0x1  }
0x67: {  	[tilespmem:$0xEE70] =	vst v2;
	v2 =	vor.u32 v0, v3;
	v3 =	vshll.u32 v60, $0x1  }
0x68: {  	[tilespmem:$0xEE80] =	vst v2;
	v2 =	vor.u32 v0, v3  }
0x69: {  	s2 =	simm.s32 $0xEE50;
	[tilespmem:$0xEE90] =	vst v2  }
0x6a: {  	[tilespmem:s21], [sflag:$0x2] =	stream.indirect.gather [hbm4b:s1+s18], $0x40, s2, s18, $0xb8;
	[tilespmem:$0x1DA40] =	vst v63  }
0x6b: {  	v2 =	vld [tilespmem:$0xEEA0]  }
0x6c: {  	v3 =	vld [tilespmem:$0xEEB0]  }
0x6d: {  	v61 =	vld [tilespmem:$0xEEC0]  }
0x6e: {  	v62 =	vld [tilespmem:$0xEED0]  }
0x6f: {  	v63 =	vld [tilespmem:$0xEEE0]  }
0x70: {  	v2 =	vshll.u32 v2, $0x1  }
0x71: {  	v3 =	vshll.u32 v3, $0x1;
	v2 =	vor.u32 v0, v2  }
0x72: {  	[tilespmem:$0xEEA0] =	vst v2;
	v2 =	vor.u32 v0, v3;
	v3 =	vshll.u32 v61, $0x1  }
0x73: {  	[tilespmem:$0xEEB0] =	vst v2;
	v2 =	vor.u32 v0, v3;
	v3 =	vshll.u32 v62, $0x1  }
0x74: {  	[tilespmem:$0xEEC0] =	vst v2;
	v2 =	vor.u32 v0, v3;
	v3 =	vshll.u32 v63, $0x1  }
0x75: {  	[tilespmem:$0xEED0] =	vst v2;
	v2 =	vor.u32 v0, v3  }
0x76: {  	s22 =	simm.s32 $0xEEA0;
	s2 =	simm.s32 $0x0;
	[tilespmem:$0xEEE0] =	vst v2  }
0x77: {  	[tilespmem:s23], [sflag:$0x3] =	stream.indirect.gather [hbm4b:s1+s18], $0x40, s22, s18, $0xb8;
	[tilespmem:$0x1DA40] =	vst v63  }
.LBB2_4:
0x78: {  	_ =	swait.ge [sflag:s24], $0x1400  }
0x79: {  	s13 =	sshra.s32 s2, $0x2;
	[sflag:s24] =	ssyncset.done $0x0  }
0x7a: {  	p0 =	seq.s32 s2, $0x0;
	s20 =	sadd.s32 $0x13C20, s13;
	[sflag:s24] =	ssyncadd.s32 $0xFFFFEC00  }
0x7b: {  	[spmem:s3] =	stream.indirect.scatter.add.f32 [tilespmem:s19], [sflag:$0x1], $0x40, s20, s18, $0xb8;
	[tilespmem:$0x1DA40] =	vst v63  }
0x7c: {  	s20 =	simm.s32 @!p0 $0x4  }
0x7d: {  	s22 =	sadd.s32 @!p0 $0x3C0, s2;
	_ =	swait.ge @!p0 [sflag:s20], $0x1400  }
0x7e: {  	s22 =	simm.s32 @p0 $0x3C0;
	[sflag:s20] =	ssyncset.done @!p0 $0x0  }
0x7f: {  	[sflag:s20] =	ssyncadd.s32 @!p0 $0xFFFFEC00;
	s20 =	sshra.s32 s22, $0x2  }
0x80: {  	v2 =	vld [tilespmem:s20+$0xEE00]  }
0x81: {  	v3 =	vld [tilespmem:s20+$0xEE10]  }
0x82: {  	v4 =	vld [tilespmem:s20+$0xEE20]  }
0x83: {  	v5 =	vld [tilespmem:s20+$0xEE30]  }
0x84: {  	v6 =	vld [tilespmem:s20+$0xEE40]  }
0x85: {  	v2 =	vshll.u32 v2, $0x1  }
0x86: {  	v3 =	vshll.u32 v3, $0x1;
	v2 =	vor.u32 v0, v2  }
0x87: {  	[tilespmem:s20+$0xEE00] =	vst v2;
	v2 =	vor.u32 v0, v3;
	v3 =	vshll.u32 v4, $0x1  }
0x88: {  	[tilespmem:s20+$0xEE10] =	vst v2;
	v2 =	vor.u32 v0, v3;
	v3 =	vshll.u32 v5, $0x1  }
0x89: {  	[tilespmem:s20+$0xEE20] =	vst v2;
	v2 =	vor.u32 v0, v3;
	v3 =	vshll.u32 v6, $0x1  }
0x8a: {  	[tilespmem:s20+$0xEE30] =	vst v2;
	v2 =	vor.u32 v0, v3  }
0x8b: {  	s22 =	sadd.s32 $0xEE00, s20;
	[tilespmem:s20+$0xEE40] =	vst v2  }
0x8c: {  	[tilespmem:s25], [sflag:$0x4] =	stream.indirect.gather [hbm4b:s1+s18], $0x40, s22, s18, $0xb8;
	[tilespmem:$0x1DA40] =	vst v63  }
0x8d: {  	_ =	swait.ge [sflag:s26], $0x1400  }
0x8e: {  	[sflag:s26] =	ssyncset.done $0x0  }
0x8f: {  	s22 =	sadd.s32 $0x13C70, s13;
	[sflag:s26] =	ssyncadd.s32 $0xFFFFEC00  }
0x90: {  	[spmem:s3] =	stream.indirect.scatter.add.f32 [tilespmem:s21], [sflag:$0x2], $0x40, s22, s18, $0xb8;
	[tilespmem:$0x1DA40] =	vst v63  }
0x91: {  	_ =	swait.ge [sflag:s24], $0x1400  }
0x92: {  	[sflag:s24] =	ssyncset.done $0x0  }
0x93: {  	[sflag:s24] =	ssyncadd.s32 $0xFFFFEC00  }
0x94: {  	v2 =	vld [tilespmem:s13+$0xEF40]  }
0x95: {  	v3 =	vld [tilespmem:s13+$0xEF50]  }
0x96: {  	v58 =	vld [tilespmem:s13+$0xEF60]  }
0x97: {  	v59 =	vld [tilespmem:s13+$0xEF70]  }
0x98: {  	v60 =	vld [tilespmem:s13+$0xEF80]  }
0x99: {  	v2 =	vshll.u32 v2, $0x1  }
0x9a: {  	v3 =	vshll.u32 v3, $0x1;
	v2 =	vor.u32 v0, v2  }
0x9b: {  	[tilespmem:s13+$0xEF40] =	vst v2;
	v2 =	vor.u32 v0, v3;
	v3 =	vshll.u32 v58, $0x1  }
0x9c: {  	[tilespmem:s13+$0xEF50] =	vst v2;
	v2 =	vor.u32 v0, v3;
	v3 =	vshll.u32 v59, $0x1  }
0x9d: {  	[tilespmem:s13+$0xEF60] =	vst v2;
	v2 =	vor.u32 v0, v3;
	v3 =	vshll.u32 v60, $0x1  }
0x9e: {  	[tilespmem:s13+$0xEF70] =	vst v2;
	v2 =	vor.u32 v0, v3  }
0x9f: {  	s22 =	sadd.s32 $0xEF40, s13;
	[tilespmem:s13+$0xEF80] =	vst v2  }
0xa0: {  	[tilespmem:s19], [sflag:$0x1] =	stream.indirect.gather [hbm4b:s1+s18], $0x40, s22, s18, $0xb8;
	[tilespmem:$0x1DA40] =	vst v63  }
0xa1: {  	_ =	swait.ge [sflag:s28], $0x1400  }
0xa2: {  	[sflag:s28] =	ssyncset.done $0x0  }
0xa3: {  	s22 =	sadd.s32 $0x13CC0, s13;
	[sflag:s28] =	ssyncadd.s32 $0xFFFFEC00  }
0xa4: {  	[spmem:s3] =	stream.indirect.scatter.add.f32 [tilespmem:s23], [sflag:$0x3], $0x40, s22, s18, $0xb8;
	[tilespmem:$0x1DA40] =	vst v63  }
0xa5: {  	_ =	swait.ge [sflag:s26], $0x1400  }
0xa6: {  	[sflag:s26] =	ssyncset.done $0x0  }
0xa7: {  	[sflag:s26] =	ssyncadd.s32 $0xFFFFEC00  }
0xa8: {  	v2 =	vld [tilespmem:s13+$0xEF90]  }
0xa9: {  	v3 =	vld [tilespmem:s13+$0xEFA0]  }
0xaa: {  	v61 =	vld [tilespmem:s13+$0xEFB0]  }
0xab: {  	v62 =	vld [tilespmem:s13+$0xEFC0]  }
0xac: {  	v63 =	vld [tilespmem:s13+$0xEFD0]  }
0xad: {  	v2 =	vshll.u32 v2, $0x1  }
0xae: {  	v3 =	vshll.u32 v3, $0x1;
	v2 =	vor.u32 v0, v2  }
0xaf: {  	[tilespmem:s13+$0xEF90] =	vst v2;
	v2 =	vor.u32 v0, v3;
	v3 =	vshll.u32 v61, $0x1  }
0xb0: {  	[tilespmem:s13+$0xEFA0] =	vst v2;
	v2 =	vor.u32 v0, v3;
	v3 =	vshll.u32 v62, $0x1  }
0xb1: {  	[tilespmem:s13+$0xEFB0] =	vst v2;
	v2 =	vor.u32 v0, v3;
	v3 =	vshll.u32 v63, $0x1  }
0xb2: {  	[tilespmem:s13+$0xEFC0] =	vst v2;
	v2 =	vor.u32 v0, v3  }
0xb3: {  	s22 =	sadd.s32 $0xEF90, s13;
	[tilespmem:s13+$0xEFD0] =	vst v2  }
0xb4: {  	[tilespmem:s21], [sflag:$0x2] =	stream.indirect.gather [hbm4b:s1+s18], $0x40, s22, s18, $0xb8;
	[tilespmem:$0x1DA40] =	vst v63  }
0xb5: {  	_ =	swait.ge [sflag:s29], $0x1400  }
0xb6: {  	p0 =	seq.s32 s2, $0x13100;
	[sflag:s29] =	ssyncset.done $0x0  }
.Ltmp3:
0xb7: {  	s20 =	sadd.s32 $0x13C20, s20;
	[sflag:s29] =	ssyncadd.s32 $0xFFFFEC00;
	(pc) =	sbr.rel @p0 .LBB2_6-.Ltmp3, $4  }
0xb8: {  	[spmem:s3] =	stream.indirect.scatter.add.f32 [tilespmem:s25], [sflag:$0x4], $0x40, s20, s18, $0xb8;
	[tilespmem:$0x1DA40] =	vst v63  }
0xb9: {  	_ =	swait.ge [sflag:s28], $0x1400  }
0xba: {  	[sflag:s28] =	ssyncset.done $0x0  }
0xbb: {  	[sflag:s28] =	ssyncadd.s32 $0xFFFFEC00  }
0xbc: {  	v2 =	vld [tilespmem:s13+$0xEFE0]  }
0xbd: {  	v3 =	vld [tilespmem:s13+$0xEFF0]  }
0xbe: {  	v4 =	vld [tilespmem:s13+$0xF000]  }
0xbf: {  	v5 =	vld [tilespmem:s13+$0xF010]  }
0xc0: {  	v6 =	vld [tilespmem:s13+$0xF020]  }
0xc1: {  	v2 =	vshll.u32 v2, $0x1  }
0xc2: {  	v3 =	vshll.u32 v3, $0x1;
	v2 =	vor.u32 v0, v2  }
0xc3: {  	[tilespmem:s13+$0xEFE0] =	vst v2;
	v2 =	vor.u32 v0, v3;
	v3 =	vshll.u32 v4, $0x1  }
.Ltmp4:
0xc4: {  	[tilespmem:s13+$0xEFF0] =	vst v2;
	v2 =	vor.u32 v0, v3;
	v3 =	vshll.u32 v5, $0x1;
	(pc) =	sbr.rel .LBB2_4-.Ltmp4, $4  }
0xc5: {  	[tilespmem:s13+$0xF000] =	vst v2;
	v2 =	vor.u32 v0, v3;
	v3 =	vshll.u32 v6, $0x1  }
0xc6: {  	[tilespmem:s13+$0xF010] =	vst v2;
	v2 =	vor.u32 v0, v3  }
0xc7: {  	s20 =	sadd.s32 $0xEFE0, s13;
	s2 =	sadd.s32 $0x500, s2;
	[tilespmem:s13+$0xF020] =	vst v2  }
0xc8: {  	[tilespmem:s23], [sflag:$0x3] =	stream.indirect.gather [hbm4b:s1+s18], $0x40, s20, s18, $0xb8;
	[tilespmem:$0x1DA40] =	vst v63  }
.LBB2_7:
0xc9: {  	_ =	sfence.sel $0x180000  }
0xca: {  	[bflag:$0x0] =	sbarrier.arrive $0xFFFF  }
0xcb: {  	_ =	strace $0x90000047  }
0xcc: {  	s0 =	stileid.u32;
	[bflag:$0x2] =	sbarrier.arrive $0xFFFF  }
0xcd: {  	p0 =	sne.s32 s0, $0x0;
	s0 =	rddreg [dreg:$0x4]  }
0xce: {  	s0 =	sadd.s32 @!p0 $0x100000, s0  }
0xcf: {  	[sflag:s0] =	ssyncadd.tile.s32 @!p0 $0x1;
	_ =	shalt  }
.Lfunc_end2:
_tile_overlayer_lowered:
.L_overlay_start_2:
0xd0: {  	(tag) =	ssettag $0x2  }
0xd1: {  	s0 =	rddreg [dreg:$0x0];
	s2 =	stileid.u32  }
0xd2: {  	s1 =	rddreg [dreg:$0x1];
	p0 =	sne.s32 s2, $0x0  }
0xd3: {  	s3 =	rddreg [dreg:$0x2];
	[bflag:$0x3] =	sbarrier.arrive $0xFFFF;
	s2 =	simm.s32 @!p0 $0x1C07  }
0xd4: {  	[timem:s3], [sflag:s2] =	dma.local @!p0 [hbm:s0], s1  }
0xd5: {  	s0 =	simm.s32 @!p0 $0x7  }
0xd6: {  	_ =	swait.ge @!p0 [sflag:s0], s1  }
0xd7: {  	s1 =	ssub.s32 @!p0 $0x0, s1;
	[sflag:s0] =	ssyncset.done @!p0 $0x0  }
0xd8: {  	[sflag:s0] =	ssyncadd.s32 @!p0 s1  }
0xd9: {  	[bflag:$0x3] =	sbarrier.arrive $0xFFFF  }
0xda: {  	_ =	shalt  }

</sc_bundles>
